<compile_context>
chip_gen: v7x
topology: tpu7x:2x2x1
jax: 0.10.2.dev20260603
libtpu: 0.0.44.dev20260713+nightly
codegen_flags: <defaults>
</compile_context>

<pallas_src>
import functools

import jax
import jax.numpy as jnp
from jax import lax
from jax.experimental import pallas as pl
from jax.experimental.pallas import tpu as pltpu
from jax.experimental.pallas import tpu_sc as plsc

N = 10000
E = 320000
F_IN = 128
F_HID = 128
F_OUT = 64

NC = 2
NS = 16
NW = NC * NS
E_PW = E // NW
B = 80
NCHUNK = E_PW // B
N_PAD = 10240
R_PS = N_PAD // NS

_mesh = plsc.VectorSubcoreMesh(core_axis_name="c", subcore_axis_name="s")


def _deg_body(edge_hbm, out_hbm, dst_v, hist_v):
    c = lax.axis_index("c")
    s = lax.axis_index("s")
    wid = c * NS + s
    pltpu.sync_copy(edge_hbm.at[1, pl.ds(wid * E_PW, E_PW)], dst_v)

    zeros16 = jnp.zeros((16,), jnp.float32)
    ones16 = jnp.ones((16,), jnp.float32)

    def zero_body(i, _):
        hist_v[pl.ds(i * 16, 16)] = zeros16
        return 0

    lax.fori_loop(0, N // 16, zero_body, 0)

    def acc_body(i, _):
        idx = dst_v[pl.ds(i * 16, 16)]
        plsc.addupdate_scatter(hist_v, [idx], ones16)
        return 0

    lax.fori_loop(0, E_PW // 16, acc_body, 0)
    pltpu.sync_copy(hist_v, out_hbm.at[wid])


@functools.partial(
    pl.kernel,
    out_type=jax.ShapeDtypeStruct((NW, N), jnp.float32),
    mesh=_mesh,
    scratch_types=[
        pltpu.VMEM((E_PW,), jnp.int32),
        pltpu.VMEM((N,), jnp.float32),
    ],
    compiler_params=pltpu.CompilerParams(
        needs_layout_passes=False, use_tc_tiling_on_sc=False),
)
def _deg_kernel(edge_hbm, out_hbm, dst_v, hist_v):
    _deg_body(edge_hbm, out_hbm, dst_v, hist_v)


def _seg_body(D, y_hbm, edge_hbm, out_hbm,
              src_v, dst_v, g0, g1, acc_sh, gsem0, gsem1, ssem, dsem):
    c = lax.axis_index("c")
    s = lax.axis_index("s")
    wid = c * NS + s
    base = wid * E_PW

    def dst_load_start(j, _):
        pltpu.make_async_copy(
            edge_hbm.at[1, pl.ds(base + j * B, B)], dst_v.at[j], dsem).start()
        return 0

    def dst_load_wait(j, _):
        pltpu.make_async_copy(
            edge_hbm.at[1, pl.ds(base + j * B, B)], dst_v.at[j], dsem).wait()
        return 0

    lax.fori_loop(0, NCHUNK, dst_load_start, 0)
    pltpu.sync_copy(edge_hbm.at[0, pl.ds(base, E_PW)], src_v)

    def gather_start(j, gbuf, sem):
        pltpu.make_async_copy(
            y_hbm.at[src_v.at[pl.ds(j * B, B)]], gbuf, sem).start()

    def gather_wait(j, gbuf, sem):
        pltpu.make_async_copy(
            y_hbm.at[src_v.at[pl.ds(j * B, B)]], gbuf, sem).wait()

    def scat(j, gbuf):
        copy = pltpu.make_async_copy(gbuf, acc_sh.at[dst_v.at[j]], ssem)
        copy.start(add=True)
        copy.wait()

    gather_start(0, g1, gsem1)

    zeros16 = jnp.zeros((16,), jnp.float32)
    lanes = D // 16

    def zero_body(i, _):
        g0[i // lanes, pl.ds((i % lanes) * 16, 16)] = zeros16
        return 0

    lax.fori_loop(0, B * lanes, zero_body, 0)
    for k in range(R_PS // B):
        pltpu.sync_copy(g0, acc_sh.at[pl.ds(s * R_PS + k * B, B)])
    lax.fori_loop(0, NCHUNK, dst_load_wait, 0)
    plsc.subcore_barrier()

    def loop_body(jj, _):
        j0 = jj * 2
        gather_start(j0 + 1, g0, gsem0)
        gather_wait(j0, g1, gsem1)
        scat(j0, g1)
        gather_start(j0 + 2, g1, gsem1)
        gather_wait(j0 + 1, g0, gsem0)
        scat(j0 + 1, g0)
        return 0

    lax.fori_loop(0, (NCHUNK - 1) // 2, loop_body, 0)
    gather_wait(NCHUNK - 1, g1, gsem1)
    scat(NCHUNK - 1, g1)

    plsc.subcore_barrier()
    pltpu.sync_copy(acc_sh.at[pl.ds(s * R_PS, R_PS)],
                    out_hbm.at[c, pl.ds(s * R_PS, R_PS)])


def _make_seg_kernel(D):
    @functools.partial(
        pl.kernel,
        out_type=jax.ShapeDtypeStruct((NC, N_PAD, D), jnp.float32),
        mesh=_mesh,
        scratch_types=[
            pltpu.VMEM((E_PW,), jnp.int32),
            pltpu.VMEM((NCHUNK, B), jnp.int32),
            pltpu.VMEM((B, D), jnp.float32),
            pltpu.VMEM((B, D), jnp.float32),
            pltpu.VMEM_SHARED((N_PAD, D), jnp.float32),
            pltpu.SemaphoreType.DMA,
            pltpu.SemaphoreType.DMA,
            pltpu.SemaphoreType.DMA,
            pltpu.SemaphoreType.DMA,
        ],
        compiler_params=pltpu.CompilerParams(use_tc_tiling_on_sc=False),
    )
    def seg_kernel(y_hbm, edge_hbm, out_hbm, *rest):
        _seg_body(D, y_hbm, edge_hbm, out_hbm, *rest)

    return seg_kernel


_seg128 = _make_seg_kernel(F_HID)
_seg64 = _make_seg_kernel(F_OUT)


_GRID = 5
_RB = N // _GRID
_RBP = _RB // 2


def _dinv_from_parts(parts_blk):
    deg = 1.0 + jnp.sum(parts_blk, axis=1)
    return lax.rsqrt(deg)


def _pack64(x):
    x3 = x.reshape(-1, 2, F_OUT)
    return jnp.concatenate([x3[:, 0, :], x3[:, 1, :]], axis=-1)


def _unpack64(p):
    a = p[:, :F_OUT][:, None, :]
    b = p[:, F_OUT:][:, None, :]
    return jnp.concatenate([a, b], axis=1).reshape(-1, F_OUT)


def _tc1a_body(x_ref, w1_ref, xw_ref):
    xw_ref[...] = jnp.dot(x_ref[...], w1_ref[...],
                          preferred_element_type=jnp.float32)


def _tc1a(x, W1):
    return pl.pallas_call(
        _tc1a_body,
        grid=(_GRID,),
        in_specs=[
            pl.BlockSpec((_RB, F_IN), lambda i: (i, 0)),
            pl.BlockSpec((F_IN, F_HID), lambda i: (0, 0)),
        ],
        out_specs=pl.BlockSpec((_RB, F_HID), lambda i: (i, 0)),
        out_shape=jax.ShapeDtypeStruct((N, F_HID), jnp.float32),
    )(x, W1)


def _tc1b_body(parts_ref, xw_ref, y1_ref):
    dinv = _dinv_from_parts(parts_ref[...])
    y1_ref[...] = xw_ref[...] * dinv[:, None]


def _tc1b(parts, xw):
    return pl.pallas_call(
        _tc1b_body,
        grid=(_GRID,),
        in_specs=[
            pl.BlockSpec((_RB, NW), lambda i: (i, 0)),
            pl.BlockSpec((_RB, F_HID), lambda i: (i, 0)),
        ],
        out_specs=pl.BlockSpec((_RB, F_HID), lambda i: (i, 0)),
        out_shape=jax.ShapeDtypeStruct((N, F_HID), jnp.float32),
    )(parts, xw)


def _tc2_body(parts_ref, s1_ref, y1_ref, b1_ref, w2_ref, y2_ref):
    dinv = _dinv_from_parts(parts_ref[...])
    ssum = s1_ref[0] + s1_ref[1]
    h1 = dinv[:, None] * (ssum + y1_ref[...]) + b1_ref[...]
    h1 = jnp.maximum(h1, 0.0)
    xw = jnp.dot(h1, w2_ref[...], preferred_element_type=jnp.float32)
    y2_ref[...] = _pack64(xw * dinv[:, None])


def _tc2(parts, s1, y1, b1, W2):
    return pl.pallas_call(
        _tc2_body,
        grid=(_GRID,),
        in_specs=[
            pl.BlockSpec((_RB, NW), lambda i: (i, 0)),
            pl.BlockSpec((NC, _RB, F_HID), lambda i: (0, i, 0)),
            pl.BlockSpec((_RB, F_HID), lambda i: (i, 0)),
            pl.BlockSpec((1, F_HID), lambda i: (0, 0)),
            pl.BlockSpec((F_HID, F_OUT), lambda i: (0, 0)),
        ],
        out_specs=pl.BlockSpec((_RBP, F_HID), lambda i: (i, 0)),
        out_shape=jax.ShapeDtypeStruct((N // 2, F_HID), jnp.float32),
    )(parts, s1, y1, b1, W2)


def _tc3_body(partsp_ref, s2p_ref, y2p_ref, b2p_ref, out_ref):
    pp = partsp_ref[...]
    dinv_e = lax.rsqrt(1.0 + jnp.sum(pp[:, :NW], axis=1))[:, None]
    dinv_o = lax.rsqrt(1.0 + jnp.sum(pp[:, NW:], axis=1))[:, None]
    dinvp = jnp.concatenate(
        [jnp.broadcast_to(dinv_e, (_RBP, F_OUT)),
         jnp.broadcast_to(dinv_o, (_RBP, F_OUT))], axis=-1)
    s2p = s2p_ref[...]
    h2p = dinvp * (s2p[0] + s2p[1] + y2p_ref[...]) + b2p_ref[...]
    ex = jnp.exp(h2p)
    r = lax.broadcasted_iota(jnp.int32, (F_HID, F_HID), 0) // F_OUT
    c = lax.broadcasted_iota(jnp.int32, (F_HID, F_HID), 1) // F_OUT
    mask = (r == c).astype(jnp.float32)
    gs = jnp.dot(ex, mask, preferred_element_type=jnp.float32)
    out_ref[...] = _unpack64(h2p - jnp.log(gs))


def _tc3(partsp, s2p, y2p, b2p):
    return pl.pallas_call(
        _tc3_body,
        grid=(_GRID,),
        in_specs=[
            pl.BlockSpec((_RBP, 2 * NW), lambda i: (i, 0)),
            pl.BlockSpec((NC, _RBP, F_HID), lambda i: (0, i, 0)),
            pl.BlockSpec((_RBP, F_HID), lambda i: (i, 0)),
            pl.BlockSpec((1, F_HID), lambda i: (0, 0)),
        ],
        out_specs=pl.BlockSpec((_RB, F_OUT), lambda i: (i, 0)),
        out_shape=jax.ShapeDtypeStruct((N, F_OUT), jnp.float32),
    )(partsp, s2p, y2p, b2p)


def kernel(x, edge_index, W1, b1, W2, b2):
    e32 = edge_index.astype(jnp.int32)

    xw1 = _tc1a(x, W1)
    deg_parts = _deg_kernel(e32).T
    y1 = _tc1b(deg_parts, xw1)
    s1 = _seg128(y1, e32)
    y2p = _tc2(deg_parts, s1, y1, b1.reshape(1, F_HID), W2)
    s2 = _seg64(y2p.reshape(N, F_OUT), e32)
    s2p = s2.reshape(NC, N_PAD // 2, F_HID)
    partsp = deg_parts.reshape(N // 2, 2 * NW)
    b2p = jnp.concatenate([b2, b2]).reshape(1, F_HID)
    return _tc3(partsp, s2p, y2p, b2p)

# --- scband reference (transcript-rebuilt; emitter-appended) ---
"""Pipeline reference for scband-mono-model-584115552925 (READ-ONLY COPY).

The authoritative reference and input builder live on the scoring server;
editing this copy changes nothing except your own understanding.
"""

import jax, jax.numpy as jnp
import numpy as np

N_NODES = 10000


def gcn_conv(x, src, dst, W, b):
    n = x.shape[0]
    deg = jnp.zeros((n,), dtype=x.dtype).at[dst].add(1.0)
    dinv = jnp.where(deg > 0, jax.lax.rsqrt(deg), 0.0)
    norm = dinv[src] * dinv[dst]
    xw = x @ W
    msg = xw[src] * norm[:, None]
    out = jax.ops.segment_sum(msg, dst, num_segments=n)
    return out + b


def setup_inputs(seed: int = 0) -> dict:
    key = jax.random.key(seed)
    k1, k2, k3, k4, k5, k6 = jax.random.split(key, 6)
    x = jax.random.normal(k1, (N_NODES, 128), dtype=jnp.float32)
    edge_index = jax.random.randint(k2, (2, 320000), 0, N_NODES, dtype=jnp.int64 if jax.config.jax_enable_x64 else jnp.int32)
    s1 = 1.0 / np.sqrt(128.0)
    W1 = jax.random.uniform(k3, (128, 128), jnp.float32, -s1, s1)
    b1 = jnp.zeros((128,), jnp.float32)
    W2 = jax.random.uniform(k4, (128, 64), jnp.float32, -s1, s1)
    b2 = jnp.zeros((64,), jnp.float32)
    return {"x": x, "edge_index": edge_index, "W1": W1, "b1": b1, "W2": W2, "b2": b2}


def reference(x, edge_index, W1, b1, W2, b2):
    n = x.shape[0]
    loop = jnp.arange(n, dtype=edge_index.dtype)
    src = jnp.concatenate([edge_index[0], loop])
    dst = jnp.concatenate([edge_index[1], loop])
    h1 = gcn_conv(x, src, dst, W1, b1)
    h1 = jax.nn.relu(h1)
    # dropout is identity in eval mode (training=False)
    h2 = gcn_conv(h1, src, dst, W2, b2)
    return jax.nn.log_softmax(h2, axis=1)

if __name__ == "__main__":
    import jax
    _d = setup_inputs()
    print(jax.jit(kernel)(*tuple(_d.values())))

</pallas_src>

<mosaic_0001>
#map = affine_map<(d0, d1) -> (0, 0)>
#map1 = affine_map<(d0, d1) -> (0, 0, 0)>
module attributes {stable_mosaic.version = 14 : i64} {
  func.func @seg_kernel(%arg0: i32, %arg1: i32, %arg2: memref<10000x64xf32, #tpu.memory_space<hbm>>, %arg3: memref<2x320000xi32, #tpu.memory_space<hbm>>, %arg4: memref<2x10240x64xf32, #tpu.memory_space<hbm>>, %arg5: memref<10000xi32, #tpu.memory_space<vmem>>, %arg6: memref<125x80xi32, #tpu.memory_space<vmem>>, %arg7: memref<80x64xf32, #tpu.memory_space<vmem>>, %arg8: memref<80x64xf32, #tpu.memory_space<vmem>>, %arg9: memref<10240x64xf32, #tpu.memory_space<vmem_shared>>, %arg10: memref<!tpu.dma_semaphore, #tpu.memory_space<semaphore_mem>>, %arg11: memref<!tpu.dma_semaphore, #tpu.memory_space<semaphore_mem>>, %arg12: memref<!tpu.dma_semaphore, #tpu.memory_space<semaphore_mem>>, %arg13: memref<!tpu.dma_semaphore, #tpu.memory_space<semaphore_mem>>) attributes {dimension_semantics = [#tpu.dimension_semantics<core_parallel>, #tpu.dimension_semantics<subcore_parallel>], iteration_bounds = array<i64: 2, 16>, scalar_prefetch = 0 : i64, scratch_operands = 9 : i64, tpu.core_type = #tpu.core_type<sc_vector_subcore>, window_params = [{transform_indices = #map}, {transform_indices = #map}, {transform_indices = #map1}]} {
    %mul3A = arith.constant 16 : i32
    %mul3A_0 = arith.muli %arg0, %mul3A : i32
    %add3A = arith.addi %mul3A_0, %arg1 : i32
    %mul3A_1 = arith.constant 10000 : i32
    %mul3A_2 = arith.muli %add3A, %mul3A_1 : i32
    %scan3A = arith.constant 0 : i32
    %scan3A_3 = arith.constant 0 : i32
    %scan3A_4 = arith.constant 125 : i32
    %scan3A_5 = arith.addi %scan3A_3, %scan3A_4 : i32
    %scan3A_6 = arith.constant 1 : i32
    %scan3A_7 = scf.for %scan3A_90 = %scan3A_3 to %scan3A_5 step %scan3A_6 iter_args(%scan3A_91 = %scan3A) -> (i32)  : i32 {
      %mul3A_92 = arith.constant 80 : i32
      %mul3A_93 = arith.muli %scan3A_90, %mul3A_92 : i32
      %add3A_94 = arith.addi %mul3A_2, %mul3A_93 : i32
      %dma_start3A_95 = arith.constant 1 : i32
      %dma_start3A_96 = arith.constant 0 : i32
      %dma_start3A_97 = tpu.memref_slice %arg6[%scan3A_90, %dma_start3A_96] : memref<125x80xi32, #tpu.memory_space<vmem>> -> memref<1x80xi32, #tpu.memory_space<vmem>>
      %dma_start3A_98 = tpu.memref_squeeze %dma_start3A_97 : memref<1x80xi32, #tpu.memory_space<vmem>> -> memref<80xi32, #tpu.memory_space<vmem>>
      %dma_start3A_99 = tpu.memref_slice %arg3[%dma_start3A_95, %add3A_94] : memref<2x320000xi32, #tpu.memory_space<hbm>> -> memref<1x80xi32, #tpu.memory_space<hbm>>
      %dma_start3A_100 = tpu.memref_squeeze %dma_start3A_99 : memref<1x80xi32, #tpu.memory_space<hbm>> -> memref<80xi32, #tpu.memory_space<hbm>>
      %dma_start3A_101 = arith.constant 0 : i32
      %dma_start3A_102 = tpu.memref_slice %arg6[%scan3A_90, %dma_start3A_101] : memref<125x80xi32, #tpu.memory_space<vmem>> -> memref<1x80xi32, #tpu.memory_space<vmem>>
      %dma_start3A_103 = tpu.memref_squeeze %dma_start3A_102 : memref<1x80xi32, #tpu.memory_space<vmem>> -> memref<80xi32, #tpu.memory_space<vmem>>
      %dma_start3A_104 = tpu.memref_slice %arg3[%dma_start3A_95, %add3A_94] : memref<2x320000xi32, #tpu.memory_space<hbm>> -> memref<1x80xi32, #tpu.memory_space<hbm>>
      %dma_start3A_105 = tpu.memref_squeeze %dma_start3A_104 : memref<1x80xi32, #tpu.memory_space<hbm>> -> memref<80xi32, #tpu.memory_space<hbm>>
      tpu.enqueue_dma source(%dma_start3A_105 : memref<80xi32, #tpu.memory_space<hbm>>) target(%dma_start3A_103 : memref<80xi32, #tpu.memory_space<vmem>>) target_semaphore(%arg13 : memref<!tpu.dma_semaphore, #tpu.memory_space<semaphore_mem>>)
      %scan3A_106 = arith.constant 0 : i32
      scf.yield %scan3A_106 : i32
    }
    %scan3A_8 = arith.constant 125 : i32
    %run_scoped3A = arith.constant 0 : i32
    "tpu.region"() ({
      %run_scoped3A_90 = tpu.sem_alloc : memref<!tpu.dma_semaphore, #tpu.memory_space<semaphore_mem>>
      %dma_start3A_91 = tpu.memref_slice %arg3[%run_scoped3A, %mul3A_2] : memref<2x320000xi32, #tpu.memory_space<hbm>> -> memref<1x10000xi32, #tpu.memory_space<hbm>>
      %dma_start3A_92 = tpu.memref_squeeze %dma_start3A_91 : memref<1x10000xi32, #tpu.memory_space<hbm>> -> memref<10000xi32, #tpu.memory_space<hbm>>
      %dma_start3A_93 = tpu.memref_slice %arg3[%run_scoped3A, %mul3A_2] : memref<2x320000xi32, #tpu.memory_space<hbm>> -> memref<1x10000xi32, #tpu.memory_space<hbm>>
      %dma_start3A_94 = tpu.memref_squeeze %dma_start3A_93 : memref<1x10000xi32, #tpu.memory_space<hbm>> -> memref<10000xi32, #tpu.memory_space<hbm>>
      tpu.enqueue_dma source(%dma_start3A_94 : memref<10000xi32, #tpu.memory_space<hbm>>) target(%arg5 : memref<10000xi32, #tpu.memory_space<vmem>>) target_semaphore(%run_scoped3A_90 : memref<!tpu.dma_semaphore, #tpu.memory_space<semaphore_mem>>)
      %dma_wait3A_95 = tpu.memref_slice %arg3[%run_scoped3A, %mul3A_2] : memref<2x320000xi32, #tpu.memory_space<hbm>> -> memref<1x10000xi32, #tpu.memory_space<hbm>>
      %dma_wait3A_96 = tpu.memref_squeeze %dma_wait3A_95 : memref<1x10000xi32, #tpu.memory_space<hbm>> -> memref<10000xi32, #tpu.memory_space<hbm>>
      %dma_wait3A_97 = tpu.memref_slice %arg3[%run_scoped3A, %mul3A_2] : memref<2x320000xi32, #tpu.memory_space<hbm>> -> memref<1x10000xi32, #tpu.memory_space<hbm>>
      %dma_wait3A_98 = tpu.memref_squeeze %dma_wait3A_97 : memref<1x10000xi32, #tpu.memory_space<hbm>> -> memref<10000xi32, #tpu.memory_space<hbm>>
      tpu.wait_dma2 semaphore(%run_scoped3A_90 : memref<!tpu.dma_semaphore, #tpu.memory_space<semaphore_mem>>) src(%dma_wait3A_98 : memref<10000xi32, #tpu.memory_space<hbm>>) dst(%arg5 : memref<10000xi32, #tpu.memory_space<vmem>>)
      tpu.yield
    }) : () -> ()
    %dma_start3A = arith.constant 0 : i32
    %dma_start3A_9 = tpu.memref_slice %arg5[%dma_start3A] : memref<10000xi32, #tpu.memory_space<vmem>> -> memref<80xi32, #tpu.memory_space<vmem>>
    %dma_start3A_10 = arith.constant 0 : i32
    %dma_start3A_11 = arith.constant 0 : i32
    %dma_start3A_12 = tpu.memref_slice %arg2[%dma_start3A_10, %dma_start3A_11] : memref<10000x64xf32, #tpu.memory_space<hbm>> -> memref<10000x64xf32, #tpu.memory_space<hbm>>
    tpu.enqueue_indirect_dma source(%dma_start3A_12 : memref<10000x64xf32, #tpu.memory_space<hbm>>) target(%arg8 : memref<80x64xf32, #tpu.memory_space<vmem>>) offsets(%dma_start3A_9 : memref<80xi32, #tpu.memory_space<vmem>>) semaphore(%arg11 : memref<!tpu.dma_semaphore, #tpu.memory_space<semaphore_mem>>)
    %broadcast_in_dim3A = arith.constant 0.000000e+00 : f32
    %broadcast_in_dim3A_13 = vector.broadcast %broadcast_in_dim3A : f32 to vector<16xf32>
    %scan3A_14 = arith.constant 0 : i32
    %scan3A_15 = arith.constant 0 : i32
    %scan3A_16 = arith.constant 320 : i32
    %scan3A_17 = arith.addi %scan3A_15, %scan3A_16 : i32
    %scan3A_18 = arith.constant 1 : i32
    %scan3A_19 = scf.for %scan3A_90 = %scan3A_15 to %scan3A_17 step %scan3A_18 iter_args(%scan3A_91 = %scan3A_14) -> (i32)  : i32 {
      %jit3A = arith.constant 4 : i32
      %div3A = arith.divsi %scan3A_90, %jit3A : i32
      %sign3A = arith.constant 0 : i32
      %sign3A_92 = arith.cmpi sgt, %scan3A_90, %sign3A : i32
      %sign3A_93 = arith.extui %sign3A_92 : i1 to i32
      %sign3A_94 = arith.constant 0 : i32
      %sign3A_95 = arith.cmpi slt, %scan3A_90, %sign3A_94 : i32
      %sign3A_96 = arith.extui %sign3A_95 : i1 to i32
      %sign3A_97 = arith.subi %sign3A_93, %sign3A_96 : i32
      %sign3A_98 = arith.constant 0 : i32
      %sign3A_99 = arith.cmpi sgt, %jit3A, %sign3A_98 : i32
      %sign3A_100 = arith.extui %sign3A_99 : i1 to i32
      %sign3A_101 = arith.constant 0 : i32
      %sign3A_102 = arith.cmpi slt, %jit3A, %sign3A_101 : i32
      %sign3A_103 = arith.extui %sign3A_102 : i1 to i32
      %sign3A_104 = arith.subi %sign3A_100, %sign3A_103 : i32
      %ne3A = arith.cmpi ne, %sign3A_97, %sign3A_104 : i32
      %rem3A = arith.remsi %scan3A_90, %jit3A : i32
      %ne3A_105 = arith.constant 0 : i32
      %ne3A_106 = arith.cmpi ne, %rem3A, %ne3A_105 : i32
      %and3A = arith.andi %ne3A, %ne3A_106 : i1
      %sub3A = arith.constant 1 : i32
      %sub3A_107 = arith.subi %div3A, %sub3A : i32
      %select_n3A = arith.select %and3A, %sub3A_107, %div3A : i32
      %jit3A_108 = arith.constant 4 : i32
      %eq3A = arith.constant 0 : i32
      %eq3A_109 = arith.cmpi eq, %jit3A_108, %eq3A : i32
      %jit3A_110 = arith.constant 1 : i32
      %select_n3A_111 = arith.select %eq3A_109, %jit3A_110, %jit3A_108 : i32
      %rem3A_112 = arith.remsi %scan3A_90, %select_n3A_111 : i32
      %ne3A_113 = arith.constant 0 : i32
      %ne3A_114 = arith.cmpi ne, %rem3A_112, %ne3A_113 : i32
      %lt3A = arith.constant 0 : i32
      %lt3A_115 = arith.cmpi slt, %rem3A_112, %lt3A : i32
      %lt3A_116 = arith.constant 0 : i32
      %lt3A_117 = arith.cmpi slt, %select_n3A_111, %lt3A_116 : i32
      %ne3A_118 = arith.xori %lt3A_115, %lt3A_117 : i1
      %and3A_119 = arith.andi %ne3A_118, %ne3A_114 : i1
      %add3A_120 = arith.addi %rem3A_112, %select_n3A_111 : i32
      %select_n3A_121 = arith.select %and3A_119, %add3A_120, %rem3A_112 : i32
      %mul3A_122 = arith.constant 16 : i32
      %mul3A_123 = arith.muli %select_n3A_121, %mul3A_122 : i32
      %swap3A = arith.index_cast %select_n3A : i32 to index
      %swap3A_124 = arith.index_cast %mul3A_123 : i32 to index
      %swap3A_125 = tpu.vector_load %arg7[%swap3A, %swap3A_124] {strides = array<i32>} : memref<80x64xf32, #tpu.memory_space<vmem>>, vector<1x16xf32>,
      %swap3A_126 = vector.shape_cast %swap3A_125 : vector<1x16xf32> to vector<16xf32>
      %swap3A_127 = vector.shape_cast %broadcast_in_dim3A_13 : vector<16xf32> to vector<1x16xf32>
      tpu.vector_store %arg7[%swap3A, %swap3A_124], %swap3A_127 {strides = array<i32>} : memref<80x64xf32, #tpu.memory_space<vmem>>, vector<1x16xf32>,
      %scan3A_128 = arith.constant 0 : i32
      scf.yield %scan3A_128 : i32
    }
    %scan3A_20 = arith.constant 320 : i32
    %mul3A_21 = arith.constant 640 : i32
    %mul3A_22 = arith.muli %arg1, %mul3A_21 : i32
    %add3A_23 = arith.constant 0 : i32
    %add3A_24 = arith.addi %mul3A_22, %add3A_23 : i32
    "tpu.region"() ({
      %run_scoped3A_90 = tpu.sem_alloc : memref<!tpu.dma_semaphore, #tpu.memory_space<semaphore_mem>>
      %dma_start3A_91 = arith.constant 0 : i32
      %dma_start3A_92 = tpu.memref_slice %arg9[%add3A_24, %dma_start3A_91] : memref<10240x64xf32, #tpu.memory_space<vmem_shared>> -> memref<80x64xf32, #tpu.memory_space<vmem_shared>>
      %dma_start3A_93 = arith.constant 0 : i32
      %dma_start3A_94 = tpu.memref_slice %arg9[%add3A_24, %dma_start3A_93] : memref<10240x64xf32, #tpu.memory_space<vmem_shared>> -> memref<80x64xf32, #tpu.memory_space<vmem_shared>>
      tpu.enqueue_dma source(%arg7 : memref<80x64xf32, #tpu.memory_space<vmem>>) target(%dma_start3A_94 : memref<80x64xf32, #tpu.memory_space<vmem_shared>>) target_semaphore(%run_scoped3A_90 : memref<!tpu.dma_semaphore, #tpu.memory_space<semaphore_mem>>)
      %dma_wait3A_95 = arith.constant 0 : i32
      %dma_wait3A_96 = tpu.memref_slice %arg9[%add3A_24, %dma_wait3A_95] : memref<10240x64xf32, #tpu.memory_space<vmem_shared>> -> memref<80x64xf32, #tpu.memory_space<vmem_shared>>
      %dma_wait3A_97 = arith.constant 0 : i32
      %dma_wait3A_98 = tpu.memref_slice %arg9[%add3A_24, %dma_wait3A_97] : memref<10240x64xf32, #tpu.memory_space<vmem_shared>> -> memref<80x64xf32, #tpu.memory_space<vmem_shared>>
      tpu.wait_dma2 semaphore(%run_scoped3A_90 : memref<!tpu.dma_semaphore, #tpu.memory_space<semaphore_mem>>) src(%arg7 : memref<80x64xf32, #tpu.memory_space<vmem>>) dst(%dma_wait3A_98 : memref<80x64xf32, #tpu.memory_space<vmem_shared>>)
      tpu.yield
    }) : () -> ()
    %mul3A_25 = arith.constant 640 : i32
    %mul3A_26 = arith.muli %arg1, %mul3A_25 : i32
    %add3A_27 = arith.constant 80 : i32
    %add3A_28 = arith.addi %mul3A_26, %add3A_27 : i32
    "tpu.region"() ({
      %run_scoped3A_90 = tpu.sem_alloc : memref<!tpu.dma_semaphore, #tpu.memory_space<semaphore_mem>>
      %dma_start3A_91 = arith.constant 0 : i32
      %dma_start3A_92 = tpu.memref_slice %arg9[%add3A_28, %dma_start3A_91] : memref<10240x64xf32, #tpu.memory_space<vmem_shared>> -> memref<80x64xf32, #tpu.memory_space<vmem_shared>>
      %dma_start3A_93 = arith.constant 0 : i32
      %dma_start3A_94 = tpu.memref_slice %arg9[%add3A_28, %dma_start3A_93] : memref<10240x64xf32, #tpu.memory_space<vmem_shared>> -> memref<80x64xf32, #tpu.memory_space<vmem_shared>>
      tpu.enqueue_dma source(%arg7 : memref<80x64xf32, #tpu.memory_space<vmem>>) target(%dma_start3A_94 : memref<80x64xf32, #tpu.memory_space<vmem_shared>>) target_semaphore(%run_scoped3A_90 : memref<!tpu.dma_semaphore, #tpu.memory_space<semaphore_mem>>)
      %dma_wait3A_95 = arith.constant 0 : i32
      %dma_wait3A_96 = tpu.memref_slice %arg9[%add3A_28, %dma_wait3A_95] : memref<10240x64xf32, #tpu.memory_space<vmem_shared>> -> memref<80x64xf32, #tpu.memory_space<vmem_shared>>
      %dma_wait3A_97 = arith.constant 0 : i32
      %dma_wait3A_98 = tpu.memref_slice %arg9[%add3A_28, %dma_wait3A_97] : memref<10240x64xf32, #tpu.memory_space<vmem_shared>> -> memref<80x64xf32, #tpu.memory_space<vmem_shared>>
      tpu.wait_dma2 semaphore(%run_scoped3A_90 : memref<!tpu.dma_semaphore, #tpu.memory_space<semaphore_mem>>) src(%arg7 : memref<80x64xf32, #tpu.memory_space<vmem>>) dst(%dma_wait3A_98 : memref<80x64xf32, #tpu.memory_space<vmem_shared>>)
      tpu.yield
    }) : () -> ()
    %mul3A_29 = arith.constant 640 : i32
    %mul3A_30 = arith.muli %arg1, %mul3A_29 : i32
    %add3A_31 = arith.constant 160 : i32
    %add3A_32 = arith.addi %mul3A_30, %add3A_31 : i32
    "tpu.region"() ({
      %run_scoped3A_90 = tpu.sem_alloc : memref<!tpu.dma_semaphore, #tpu.memory_space<semaphore_mem>>
      %dma_start3A_91 = arith.constant 0 : i32
      %dma_start3A_92 = tpu.memref_slice %arg9[%add3A_32, %dma_start3A_91] : memref<10240x64xf32, #tpu.memory_space<vmem_shared>> -> memref<80x64xf32, #tpu.memory_space<vmem_shared>>
      %dma_start3A_93 = arith.constant 0 : i32
      %dma_start3A_94 = tpu.memref_slice %arg9[%add3A_32, %dma_start3A_93] : memref<10240x64xf32, #tpu.memory_space<vmem_shared>> -> memref<80x64xf32, #tpu.memory_space<vmem_shared>>
      tpu.enqueue_dma source(%arg7 : memref<80x64xf32, #tpu.memory_space<vmem>>) target(%dma_start3A_94 : memref<80x64xf32, #tpu.memory_space<vmem_shared>>) target_semaphore(%run_scoped3A_90 : memref<!tpu.dma_semaphore, #tpu.memory_space<semaphore_mem>>)
      %dma_wait3A_95 = arith.constant 0 : i32
      %dma_wait3A_96 = tpu.memref_slice %arg9[%add3A_32, %dma_wait3A_95] : memref<10240x64xf32, #tpu.memory_space<vmem_shared>> -> memref<80x64xf32, #tpu.memory_space<vmem_shared>>
      %dma_wait3A_97 = arith.constant 0 : i32
      %dma_wait3A_98 = tpu.memref_slice %arg9[%add3A_32, %dma_wait3A_97] : memref<10240x64xf32, #tpu.memory_space<vmem_shared>> -> memref<80x64xf32, #tpu.memory_space<vmem_shared>>
      tpu.wait_dma2 semaphore(%run_scoped3A_90 : memref<!tpu.dma_semaphore, #tpu.memory_space<semaphore_mem>>) src(%arg7 : memref<80x64xf32, #tpu.memory_space<vmem>>) dst(%dma_wait3A_98 : memref<80x64xf32, #tpu.memory_space<vmem_shared>>)
      tpu.yield
    }) : () -> ()
    %mul3A_33 = arith.constant 640 : i32
    %mul3A_34 = arith.muli %arg1, %mul3A_33 : i32
    %add3A_35 = arith.constant 240 : i32
    %add3A_36 = arith.addi %mul3A_34, %add3A_35 : i32
    "tpu.region"() ({
      %run_scoped3A_90 = tpu.sem_alloc : memref<!tpu.dma_semaphore, #tpu.memory_space<semaphore_mem>>
      %dma_start3A_91 = arith.constant 0 : i32
      %dma_start3A_92 = tpu.memref_slice %arg9[%add3A_36, %dma_start3A_91] : memref<10240x64xf32, #tpu.memory_space<vmem_shared>> -> memref<80x64xf32, #tpu.memory_space<vmem_shared>>
      %dma_start3A_93 = arith.constant 0 : i32
      %dma_start3A_94 = tpu.memref_slice %arg9[%add3A_36, %dma_start3A_93] : memref<10240x64xf32, #tpu.memory_space<vmem_shared>> -> memref<80x64xf32, #tpu.memory_space<vmem_shared>>
      tpu.enqueue_dma source(%arg7 : memref<80x64xf32, #tpu.memory_space<vmem>>) target(%dma_start3A_94 : memref<80x64xf32, #tpu.memory_space<vmem_shared>>) target_semaphore(%run_scoped3A_90 : memref<!tpu.dma_semaphore, #tpu.memory_space<semaphore_mem>>)
      %dma_wait3A_95 = arith.constant 0 : i32
      %dma_wait3A_96 = tpu.memref_slice %arg9[%add3A_36, %dma_wait3A_95] : memref<10240x64xf32, #tpu.memory_space<vmem_shared>> -> memref<80x64xf32, #tpu.memory_space<vmem_shared>>
      %dma_wait3A_97 = arith.constant 0 : i32
      %dma_wait3A_98 = tpu.memref_slice %arg9[%add3A_36, %dma_wait3A_97] : memref<10240x64xf32, #tpu.memory_space<vmem_shared>> -> memref<80x64xf32, #tpu.memory_space<vmem_shared>>
      tpu.wait_dma2 semaphore(%run_scoped3A_90 : memref<!tpu.dma_semaphore, #tpu.memory_space<semaphore_mem>>) src(%arg7 : memref<80x64xf32, #tpu.memory_space<vmem>>) dst(%dma_wait3A_98 : memref<80x64xf32, #tpu.memory_space<vmem_shared>>)
      tpu.yield
    }) : () -> ()
    %mul3A_37 = arith.constant 640 : i32
    %mul3A_38 = arith.muli %arg1, %mul3A_37 : i32
    %add3A_39 = arith.constant 320 : i32
    %add3A_40 = arith.addi %mul3A_38, %add3A_39 : i32
    "tpu.region"() ({
      %run_scoped3A_90 = tpu.sem_alloc : memref<!tpu.dma_semaphore, #tpu.memory_space<semaphore_mem>>
      %dma_start3A_91 = arith.constant 0 : i32
      %dma_start3A_92 = tpu.memref_slice %arg9[%add3A_40, %dma_start3A_91] : memref<10240x64xf32, #tpu.memory_space<vmem_shared>> -> memref<80x64xf32, #tpu.memory_space<vmem_shared>>
      %dma_start3A_93 = arith.constant 0 : i32
      %dma_start3A_94 = tpu.memref_slice %arg9[%add3A_40, %dma_start3A_93] : memref<10240x64xf32, #tpu.memory_space<vmem_shared>> -> memref<80x64xf32, #tpu.memory_space<vmem_shared>>
      tpu.enqueue_dma source(%arg7 : memref<80x64xf32, #tpu.memory_space<vmem>>) target(%dma_start3A_94 : memref<80x64xf32, #tpu.memory_space<vmem_shared>>) target_semaphore(%run_scoped3A_90 : memref<!tpu.dma_semaphore, #tpu.memory_space<semaphore_mem>>)
      %dma_wait3A_95 = arith.constant 0 : i32
      %dma_wait3A_96 = tpu.memref_slice %arg9[%add3A_40, %dma_wait3A_95] : memref<10240x64xf32, #tpu.memory_space<vmem_shared>> -> memref<80x64xf32, #tpu.memory_space<vmem_shared>>
      %dma_wait3A_97 = arith.constant 0 : i32
      %dma_wait3A_98 = tpu.memref_slice %arg9[%add3A_40, %dma_wait3A_97] : memref<10240x64xf32, #tpu.memory_space<vmem_shared>> -> memref<80x64xf32, #tpu.memory_space<vmem_shared>>
      tpu.wait_dma2 semaphore(%run_scoped3A_90 : memref<!tpu.dma_semaphore, #tpu.memory_space<semaphore_mem>>) src(%arg7 : memref<80x64xf32, #tpu.memory_space<vmem>>) dst(%dma_wait3A_98 : memref<80x64xf32, #tpu.memory_space<vmem_shared>>)
      tpu.yield
    }) : () -> ()
    %mul3A_41 = arith.constant 640 : i32
    %mul3A_42 = arith.muli %arg1, %mul3A_41 : i32
    %add3A_43 = arith.constant 400 : i32
    %add3A_44 = arith.addi %mul3A_42, %add3A_43 : i32
    "tpu.region"() ({
      %run_scoped3A_90 = tpu.sem_alloc : memref<!tpu.dma_semaphore, #tpu.memory_space<semaphore_mem>>
      %dma_start3A_91 = arith.constant 0 : i32
      %dma_start3A_92 = tpu.memref_slice %arg9[%add3A_44, %dma_start3A_91] : memref<10240x64xf32, #tpu.memory_space<vmem_shared>> -> memref<80x64xf32, #tpu.memory_space<vmem_shared>>
      %dma_start3A_93 = arith.constant 0 : i32
      %dma_start3A_94 = tpu.memref_slice %arg9[%add3A_44, %dma_start3A_93] : memref<10240x64xf32, #tpu.memory_space<vmem_shared>> -> memref<80x64xf32, #tpu.memory_space<vmem_shared>>
      tpu.enqueue_dma source(%arg7 : memref<80x64xf32, #tpu.memory_space<vmem>>) target(%dma_start3A_94 : memref<80x64xf32, #tpu.memory_space<vmem_shared>>) target_semaphore(%run_scoped3A_90 : memref<!tpu.dma_semaphore, #tpu.memory_space<semaphore_mem>>)
      %dma_wait3A_95 = arith.constant 0 : i32
      %dma_wait3A_96 = tpu.memref_slice %arg9[%add3A_44, %dma_wait3A_95] : memref<10240x64xf32, #tpu.memory_space<vmem_shared>> -> memref<80x64xf32, #tpu.memory_space<vmem_shared>>
      %dma_wait3A_97 = arith.constant 0 : i32
      %dma_wait3A_98 = tpu.memref_slice %arg9[%add3A_44, %dma_wait3A_97] : memref<10240x64xf32, #tpu.memory_space<vmem_shared>> -> memref<80x64xf32, #tpu.memory_space<vmem_shared>>
      tpu.wait_dma2 semaphore(%run_scoped3A_90 : memref<!tpu.dma_semaphore, #tpu.memory_space<semaphore_mem>>) src(%arg7 : memref<80x64xf32, #tpu.memory_space<vmem>>) dst(%dma_wait3A_98 : memref<80x64xf32, #tpu.memory_space<vmem_shared>>)
      tpu.yield
    }) : () -> ()
    %mul3A_45 = arith.constant 640 : i32
    %mul3A_46 = arith.muli %arg1, %mul3A_45 : i32
    %add3A_47 = arith.constant 480 : i32
    %add3A_48 = arith.addi %mul3A_46, %add3A_47 : i32
    "tpu.region"() ({
      %run_scoped3A_90 = tpu.sem_alloc : memref<!tpu.dma_semaphore, #tpu.memory_space<semaphore_mem>>
      %dma_start3A_91 = arith.constant 0 : i32
      %dma_start3A_92 = tpu.memref_slice %arg9[%add3A_48, %dma_start3A_91] : memref<10240x64xf32, #tpu.memory_space<vmem_shared>> -> memref<80x64xf32, #tpu.memory_space<vmem_shared>>
      %dma_start3A_93 = arith.constant 0 : i32
      %dma_start3A_94 = tpu.memref_slice %arg9[%add3A_48, %dma_start3A_93] : memref<10240x64xf32, #tpu.memory_space<vmem_shared>> -> memref<80x64xf32, #tpu.memory_space<vmem_shared>>
      tpu.enqueue_dma source(%arg7 : memref<80x64xf32, #tpu.memory_space<vmem>>) target(%dma_start3A_94 : memref<80x64xf32, #tpu.memory_space<vmem_shared>>) target_semaphore(%run_scoped3A_90 : memref<!tpu.dma_semaphore, #tpu.memory_space<semaphore_mem>>)
      %dma_wait3A_95 = arith.constant 0 : i32
      %dma_wait3A_96 = tpu.memref_slice %arg9[%add3A_48, %dma_wait3A_95] : memref<10240x64xf32, #tpu.memory_space<vmem_shared>> -> memref<80x64xf32, #tpu.memory_space<vmem_shared>>
      %dma_wait3A_97 = arith.constant 0 : i32
      %dma_wait3A_98 = tpu.memref_slice %arg9[%add3A_48, %dma_wait3A_97] : memref<10240x64xf32, #tpu.memory_space<vmem_shared>> -> memref<80x64xf32, #tpu.memory_space<vmem_shared>>
      tpu.wait_dma2 semaphore(%run_scoped3A_90 : memref<!tpu.dma_semaphore, #tpu.memory_space<semaphore_mem>>) src(%arg7 : memref<80x64xf32, #tpu.memory_space<vmem>>) dst(%dma_wait3A_98 : memref<80x64xf32, #tpu.memory_space<vmem_shared>>)
      tpu.yield
    }) : () -> ()
    %mul3A_49 = arith.constant 640 : i32
    %mul3A_50 = arith.muli %arg1, %mul3A_49 : i32
    %add3A_51 = arith.constant 560 : i32
    %add3A_52 = arith.addi %mul3A_50, %add3A_51 : i32
    "tpu.region"() ({
      %run_scoped3A_90 = tpu.sem_alloc : memref<!tpu.dma_semaphore, #tpu.memory_space<semaphore_mem>>
      %dma_start3A_91 = arith.constant 0 : i32
      %dma_start3A_92 = tpu.memref_slice %arg9[%add3A_52, %dma_start3A_91] : memref<10240x64xf32, #tpu.memory_space<vmem_shared>> -> memref<80x64xf32, #tpu.memory_space<vmem_shared>>
      %dma_start3A_93 = arith.constant 0 : i32
      %dma_start3A_94 = tpu.memref_slice %arg9[%add3A_52, %dma_start3A_93] : memref<10240x64xf32, #tpu.memory_space<vmem_shared>> -> memref<80x64xf32, #tpu.memory_space<vmem_shared>>
      tpu.enqueue_dma source(%arg7 : memref<80x64xf32, #tpu.memory_space<vmem>>) target(%dma_start3A_94 : memref<80x64xf32, #tpu.memory_space<vmem_shared>>) target_semaphore(%run_scoped3A_90 : memref<!tpu.dma_semaphore, #tpu.memory_space<semaphore_mem>>)
      %dma_wait3A_95 = arith.constant 0 : i32
      %dma_wait3A_96 = tpu.memref_slice %arg9[%add3A_52, %dma_wait3A_95] : memref<10240x64xf32, #tpu.memory_space<vmem_shared>> -> memref<80x64xf32, #tpu.memory_space<vmem_shared>>
      %dma_wait3A_97 = arith.constant 0 : i32
      %dma_wait3A_98 = tpu.memref_slice %arg9[%add3A_52, %dma_wait3A_97] : memref<10240x64xf32, #tpu.memory_space<vmem_shared>> -> memref<80x64xf32, #tpu.memory_space<vmem_shared>>
      tpu.wait_dma2 semaphore(%run_scoped3A_90 : memref<!tpu.dma_semaphore, #tpu.memory_space<semaphore_mem>>) src(%arg7 : memref<80x64xf32, #tpu.memory_space<vmem>>) dst(%dma_wait3A_98 : memref<80x64xf32, #tpu.memory_space<vmem_shared>>)
      tpu.yield
    }) : () -> ()
    %scan3A_53 = arith.constant 0 : i32
    %scan3A_54 = arith.constant 0 : i32
    %scan3A_55 = arith.constant 125 : i32
    %scan3A_56 = arith.addi %scan3A_54, %scan3A_55 : i32
    %scan3A_57 = arith.constant 1 : i32
    %scan3A_58 = scf.for %scan3A_90 = %scan3A_54 to %scan3A_56 step %scan3A_57 iter_args(%scan3A_91 = %scan3A_53) -> (i32)  : i32 {
      %mul3A_92 = arith.constant 80 : i32
      %mul3A_93 = arith.muli %scan3A_90, %mul3A_92 : i32
      %add3A_94 = arith.addi %mul3A_2, %mul3A_93 : i32
      %dma_wait3A_95 = arith.constant 1 : i32
      %dma_wait3A_96 = arith.constant 0 : i32
      %dma_wait3A_97 = tpu.memref_slice %arg6[%scan3A_90, %dma_wait3A_96] : memref<125x80xi32, #tpu.memory_space<vmem>> -> memref<1x80xi32, #tpu.memory_space<vmem>>
      %dma_wait3A_98 = tpu.memref_squeeze %dma_wait3A_97 : memref<1x80xi32, #tpu.memory_space<vmem>> -> memref<80xi32, #tpu.memory_space<vmem>>
      %dma_wait3A_99 = tpu.memref_slice %arg3[%dma_wait3A_95, %add3A_94] : memref<2x320000xi32, #tpu.memory_space<hbm>> -> memref<1x80xi32, #tpu.memory_space<hbm>>
      %dma_wait3A_100 = tpu.memref_squeeze %dma_wait3A_99 : memref<1x80xi32, #tpu.memory_space<hbm>> -> memref<80xi32, #tpu.memory_space<hbm>>
      %dma_wait3A_101 = arith.constant 0 : i32
      %dma_wait3A_102 = tpu.memref_slice %arg6[%scan3A_90, %dma_wait3A_101] : memref<125x80xi32, #tpu.memory_space<vmem>> -> memref<1x80xi32, #tpu.memory_space<vmem>>
      %dma_wait3A_103 = tpu.memref_squeeze %dma_wait3A_102 : memref<1x80xi32, #tpu.memory_space<vmem>> -> memref<80xi32, #tpu.memory_space<vmem>>
      %dma_wait3A_104 = tpu.memref_slice %arg3[%dma_wait3A_95, %add3A_94] : memref<2x320000xi32, #tpu.memory_space<hbm>> -> memref<1x80xi32, #tpu.memory_space<hbm>>
      %dma_wait3A_105 = tpu.memref_squeeze %dma_wait3A_104 : memref<1x80xi32, #tpu.memory_space<hbm>> -> memref<80xi32, #tpu.memory_space<hbm>>
      tpu.wait_dma2 semaphore(%arg13 : memref<!tpu.dma_semaphore, #tpu.memory_space<semaphore_mem>>) src(%dma_wait3A_105 : memref<80xi32, #tpu.memory_space<hbm>>) dst(%dma_wait3A_103 : memref<80xi32, #tpu.memory_space<vmem>>)
      %scan3A_106 = arith.constant 0 : i32
      scf.yield %scan3A_106 : i32
    }
    %scan3A_59 = arith.constant 125 : i32
    %barrier3A = arith.constant 0 : index
    tpu.barrier barrier_id(%barrier3A)
    %scan3A_60 = arith.constant 0 : i32
    %scan3A_61 = arith.constant 0 : i32
    %scan3A_62 = arith.constant 62 : i32
    %scan3A_63 = arith.addi %scan3A_61, %scan3A_62 : i32
    %scan3A_64 = arith.constant 1 : i32
    %scan3A_65 = scf.for %scan3A_90 = %scan3A_61 to %scan3A_63 step %scan3A_64 iter_args(%scan3A_91 = %scan3A_60) -> (i32)  : i32 {
      %mul3A_92 = arith.constant 2 : i32
      %mul3A_93 = arith.muli %scan3A_90, %mul3A_92 : i32
      %add3A_94 = arith.constant 1 : i32
      %add3A_95 = arith.addi %mul3A_93, %add3A_94 : i32
      %mul3A_96 = arith.constant 80 : i32
      %mul3A_97 = arith.muli %add3A_95, %mul3A_96 : i32
      %dma_start3A_98 = tpu.memref_slice %arg5[%mul3A_97] : memref<10000xi32, #tpu.memory_space<vmem>> -> memref<80xi32, #tpu.memory_space<vmem>>
      %dma_start3A_99 = arith.constant 0 : i32
      %dma_start3A_100 = arith.constant 0 : i32
      %dma_start3A_101 = tpu.memref_slice %arg2[%dma_start3A_99, %dma_start3A_100] : memref<10000x64xf32, #tpu.memory_space<hbm>> -> memref<10000x64xf32, #tpu.memory_space<hbm>>
      tpu.enqueue_indirect_dma source(%dma_start3A_101 : memref<10000x64xf32, #tpu.memory_space<hbm>>) target(%arg7 : memref<80x64xf32, #tpu.memory_space<vmem>>) offsets(%dma_start3A_98 : memref<80xi32, #tpu.memory_space<vmem>>) semaphore(%arg10 : memref<!tpu.dma_semaphore, #tpu.memory_space<semaphore_mem>>)
      %mul3A_102 = arith.constant 80 : i32
      %mul3A_103 = arith.muli %mul3A_93, %mul3A_102 : i32
      %dma_wait3A_104 = tpu.memref_slice %arg5[%mul3A_103] : memref<10000xi32, #tpu.memory_space<vmem>> -> memref<80xi32, #tpu.memory_space<vmem>>
      %dma_wait3A_105 = arith.constant 0 : i32
      %dma_wait3A_106 = arith.constant 0 : i32
      %dma_wait3A_107 = tpu.memref_slice %arg2[%dma_wait3A_105, %dma_wait3A_106] : memref<10000x64xf32, #tpu.memory_space<hbm>> -> memref<10000x64xf32, #tpu.memory_space<hbm>>
      tpu.wait_indirect_dma semaphore(%arg11 : memref<!tpu.dma_semaphore, #tpu.memory_space<semaphore_mem>>) src(%dma_wait3A_107 : memref<10000x64xf32, #tpu.memory_space<hbm>>) dst(%arg8 : memref<80x64xf32, #tpu.memory_space<vmem>>)
      %dma_start3A_108 = arith.constant 0 : i32
      %dma_start3A_109 = tpu.memref_slice %arg6[%mul3A_93, %dma_start3A_108] : memref<125x80xi32, #tpu.memory_space<vmem>> -> memref<1x80xi32, #tpu.memory_space<vmem>>
      %dma_start3A_110 = tpu.memref_squeeze %dma_start3A_109 : memref<1x80xi32, #tpu.memory_space<vmem>> -> memref<80xi32, #tpu.memory_space<vmem>>
      %dma_start3A_111 = arith.constant 0 : i32
      %dma_start3A_112 = arith.constant 0 : i32
      %dma_start3A_113 = tpu.memref_slice %arg9[%dma_start3A_111, %dma_start3A_112] : memref<10240x64xf32, #tpu.memory_space<vmem_shared>> -> memref<10240x64xf32, #tpu.memory_space<vmem_shared>>
      tpu.enqueue_indirect_dma source(%arg8 : memref<80x64xf32, #tpu.memory_space<vmem>>) target(%dma_start3A_113 : memref<10240x64xf32, #tpu.memory_space<vmem_shared>>) offsets(%dma_start3A_110 : memref<80xi32, #tpu.memory_space<vmem>>) semaphore(%arg12 : memref<!tpu.dma_semaphore, #tpu.memory_space<semaphore_mem>>) {add = true}
      %dma_wait3A_114 = arith.constant 0 : i32
      %dma_wait3A_115 = tpu.memref_slice %arg6[%mul3A_93, %dma_wait3A_114] : memref<125x80xi32, #tpu.memory_space<vmem>> -> memref<1x80xi32, #tpu.memory_space<vmem>>
      %dma_wait3A_116 = tpu.memref_squeeze %dma_wait3A_115 : memref<1x80xi32, #tpu.memory_space<vmem>> -> memref<80xi32, #tpu.memory_space<vmem>>
      %dma_wait3A_117 = arith.constant 0 : i32
      %dma_wait3A_118 = arith.constant 0 : i32
      %dma_wait3A_119 = tpu.memref_slice %arg9[%dma_wait3A_117, %dma_wait3A_118] : memref<10240x64xf32, #tpu.memory_space<vmem_shared>> -> memref<10240x64xf32, #tpu.memory_space<vmem_shared>>
      tpu.wait_indirect_dma semaphore(%arg12 : memref<!tpu.dma_semaphore, #tpu.memory_space<semaphore_mem>>) src(%arg8 : memref<80x64xf32, #tpu.memory_space<vmem>>) dst(%dma_wait3A_119 : memref<10240x64xf32, #tpu.memory_space<vmem_shared>>)
      %add3A_120 = arith.constant 2 : i32
      %add3A_121 = arith.addi %mul3A_93, %add3A_120 : i32
      %mul3A_122 = arith.constant 80 : i32
      %mul3A_123 = arith.muli %add3A_121, %mul3A_122 : i32
      %dma_start3A_124 = tpu.memref_slice %arg5[%mul3A_123] : memref<10000xi32, #tpu.memory_space<vmem>> -> memref<80xi32, #tpu.memory_space<vmem>>
      %dma_start3A_125 = arith.constant 0 : i32
      %dma_start3A_126 = arith.constant 0 : i32
      %dma_start3A_127 = tpu.memref_slice %arg2[%dma_start3A_125, %dma_start3A_126] : memref<10000x64xf32, #tpu.memory_space<hbm>> -> memref<10000x64xf32, #tpu.memory_space<hbm>>
      tpu.enqueue_indirect_dma source(%dma_start3A_127 : memref<10000x64xf32, #tpu.memory_space<hbm>>) target(%arg8 : memref<80x64xf32, #tpu.memory_space<vmem>>) offsets(%dma_start3A_124 : memref<80xi32, #tpu.memory_space<vmem>>) semaphore(%arg11 : memref<!tpu.dma_semaphore, #tpu.memory_space<semaphore_mem>>)
      %add3A_128 = arith.constant 1 : i32
      %add3A_129 = arith.addi %mul3A_93, %add3A_128 : i32
      %mul3A_130 = arith.constant 80 : i32
      %mul3A_131 = arith.muli %add3A_129, %mul3A_130 : i32
      %dma_wait3A_132 = tpu.memref_slice %arg5[%mul3A_131] : memref<10000xi32, #tpu.memory_space<vmem>> -> memref<80xi32, #tpu.memory_space<vmem>>
      %dma_wait3A_133 = arith.constant 0 : i32
      %dma_wait3A_134 = arith.constant 0 : i32
      %dma_wait3A_135 = tpu.memref_slice %arg2[%dma_wait3A_133, %dma_wait3A_134] : memref<10000x64xf32, #tpu.memory_space<hbm>> -> memref<10000x64xf32, #tpu.memory_space<hbm>>
      tpu.wait_indirect_dma semaphore(%arg10 : memref<!tpu.dma_semaphore, #tpu.memory_space<semaphore_mem>>) src(%dma_wait3A_135 : memref<10000x64xf32, #tpu.memory_space<hbm>>) dst(%arg7 : memref<80x64xf32, #tpu.memory_space<vmem>>)
      %add3A_136 = arith.constant 1 : i32
      %add3A_137 = arith.addi %mul3A_93, %add3A_136 : i32
      %dma_start3A_138 = arith.constant 0 : i32
      %dma_start3A_139 = tpu.memref_slice %arg6[%add3A_137, %dma_start3A_138] : memref<125x80xi32, #tpu.memory_space<vmem>> -> memref<1x80xi32, #tpu.memory_space<vmem>>
      %dma_start3A_140 = tpu.memref_squeeze %dma_start3A_139 : memref<1x80xi32, #tpu.memory_space<vmem>> -> memref<80xi32, #tpu.memory_space<vmem>>
      %dma_start3A_141 = arith.constant 0 : i32
      %dma_start3A_142 = arith.constant 0 : i32
      %dma_start3A_143 = tpu.memref_slice %arg9[%dma_start3A_141, %dma_start3A_142] : memref<10240x64xf32, #tpu.memory_space<vmem_shared>> -> memref<10240x64xf32, #tpu.memory_space<vmem_shared>>
      tpu.enqueue_indirect_dma source(%arg7 : memref<80x64xf32, #tpu.memory_space<vmem>>) target(%dma_start3A_143 : memref<10240x64xf32, #tpu.memory_space<vmem_shared>>) offsets(%dma_start3A_140 : memref<80xi32, #tpu.memory_space<vmem>>) semaphore(%arg12 : memref<!tpu.dma_semaphore, #tpu.memory_space<semaphore_mem>>) {add = true}
      %dma_wait3A_144 = arith.constant 0 : i32
      %dma_wait3A_145 = tpu.memref_slice %arg6[%add3A_137, %dma_wait3A_144] : memref<125x80xi32, #tpu.memory_space<vmem>> -> memref<1x80xi32, #tpu.memory_space<vmem>>
      %dma_wait3A_146 = tpu.memref_squeeze %dma_wait3A_145 : memref<1x80xi32, #tpu.memory_space<vmem>> -> memref<80xi32, #tpu.memory_space<vmem>>
      %dma_wait3A_147 = arith.constant 0 : i32
      %dma_wait3A_148 = arith.constant 0 : i32
      %dma_wait3A_149 = tpu.memref_slice %arg9[%dma_wait3A_147, %dma_wait3A_148] : memref<10240x64xf32, #tpu.memory_space<vmem_shared>> -> memref<10240x64xf32, #tpu.memory_space<vmem_shared>>
      tpu.wait_indirect_dma semaphore(%arg12 : memref<!tpu.dma_semaphore, #tpu.memory_space<semaphore_mem>>) src(%arg7 : memref<80x64xf32, #tpu.memory_space<vmem>>) dst(%dma_wait3A_149 : memref<10240x64xf32, #tpu.memory_space<vmem_shared>>)
      %scan3A_150 = arith.constant 0 : i32
      scf.yield %scan3A_150 : i32
    }
    %scan3A_66 = arith.constant 62 : i32
    %dma_wait3A = arith.constant 9920 : i32
    %dma_wait3A_67 = tpu.memref_slice %arg5[%dma_wait3A] : memref<10000xi32, #tpu.memory_space<vmem>> -> memref<80xi32, #tpu.memory_space<vmem>>
    %dma_wait3A_68 = arith.constant 0 : i32
    %dma_wait3A_69 = arith.constant 0 : i32
    %dma_wait3A_70 = tpu.memref_slice %arg2[%dma_wait3A_68, %dma_wait3A_69] : memref<10000x64xf32, #tpu.memory_space<hbm>> -> memref<10000x64xf32, #tpu.memory_space<hbm>>
    tpu.wait_indirect_dma semaphore(%arg11 : memref<!tpu.dma_semaphore, #tpu.memory_space<semaphore_mem>>) src(%dma_wait3A_70 : memref<10000x64xf32, #tpu.memory_space<hbm>>) dst(%arg8 : memref<80x64xf32, #tpu.memory_space<vmem>>)
    %dma_start3A_71 = arith.constant 124 : i32
    %dma_start3A_72 = arith.constant 0 : i32
    %dma_start3A_73 = tpu.memref_slice %arg6[%dma_start3A_71, %dma_start3A_72] : memref<125x80xi32, #tpu.memory_space<vmem>> -> memref<1x80xi32, #tpu.memory_space<vmem>>
    %dma_start3A_74 = tpu.memref_squeeze %dma_start3A_73 : memref<1x80xi32, #tpu.memory_space<vmem>> -> memref<80xi32, #tpu.memory_space<vmem>>
    %dma_start3A_75 = arith.constant 0 : i32
    %dma_start3A_76 = arith.constant 0 : i32
    %dma_start3A_77 = tpu.memref_slice %arg9[%dma_start3A_75, %dma_start3A_76] : memref<10240x64xf32, #tpu.memory_space<vmem_shared>> -> memref<10240x64xf32, #tpu.memory_space<vmem_shared>>
    tpu.enqueue_indirect_dma source(%arg8 : memref<80x64xf32, #tpu.memory_space<vmem>>) target(%dma_start3A_77 : memref<10240x64xf32, #tpu.memory_space<vmem_shared>>) offsets(%dma_start3A_74 : memref<80xi32, #tpu.memory_space<vmem>>) semaphore(%arg12 : memref<!tpu.dma_semaphore, #tpu.memory_space<semaphore_mem>>) {add = true}
    %dma_wait3A_78 = arith.constant 124 : i32
    %dma_wait3A_79 = arith.constant 0 : i32
    %dma_wait3A_80 = tpu.memref_slice %arg6[%dma_wait3A_78, %dma_wait3A_79] : memref<125x80xi32, #tpu.memory_space<vmem>> -> memref<1x80xi32, #tpu.memory_space<vmem>>
    %dma_wait3A_81 = tpu.memref_squeeze %dma_wait3A_80 : memref<1x80xi32, #tpu.memory_space<vmem>> -> memref<80xi32, #tpu.memory_space<vmem>>
    %dma_wait3A_82 = arith.constant 0 : i32
    %dma_wait3A_83 = arith.constant 0 : i32
    %dma_wait3A_84 = tpu.memref_slice %arg9[%dma_wait3A_82, %dma_wait3A_83] : memref<10240x64xf32, #tpu.memory_space<vmem_shared>> -> memref<10240x64xf32, #tpu.memory_space<vmem_shared>>
    tpu.wait_indirect_dma semaphore(%arg12 : memref<!tpu.dma_semaphore, #tpu.memory_space<semaphore_mem>>) src(%arg8 : memref<80x64xf32, #tpu.memory_space<vmem>>) dst(%dma_wait3A_84 : memref<10240x64xf32, #tpu.memory_space<vmem_shared>>)
    %barrier3A_85 = arith.constant 0 : index
    tpu.barrier barrier_id(%barrier3A_85)
    %mul3A_86 = arith.constant 640 : i32
    %mul3A_87 = arith.muli %arg1, %mul3A_86 : i32
    %mul3A_88 = arith.constant 640 : i32
    %mul3A_89 = arith.muli %arg1, %mul3A_88 : i32
    "tpu.region"() ({
      %run_scoped3A_90 = tpu.sem_alloc : memref<!tpu.dma_semaphore, #tpu.memory_space<semaphore_mem>>
      %dma_start3A_91 = arith.constant 0 : i32
      %dma_start3A_92 = tpu.memref_slice %arg4[%arg0, %mul3A_89, %dma_start3A_91] : memref<2x10240x64xf32, #tpu.memory_space<hbm>> -> memref<1x640x64xf32, #tpu.memory_space<hbm>>
      %dma_start3A_93 = tpu.memref_squeeze %dma_start3A_92 : memref<1x640x64xf32, #tpu.memory_space<hbm>> -> memref<640x64xf32, #tpu.memory_space<hbm>>
      %dma_start3A_94 = arith.constant 0 : i32
      %dma_start3A_95 = tpu.memref_slice %arg9[%mul3A_87, %dma_start3A_94] : memref<10240x64xf32, #tpu.memory_space<vmem_shared>> -> memref<640x64xf32, #tpu.memory_space<vmem_shared>>
      tpu.enqueue_dma source(%dma_start3A_95 : memref<640x64xf32, #tpu.memory_space<vmem_shared>>) target(%dma_start3A_93 : memref<640x64xf32, #tpu.memory_space<hbm>>) target_semaphore(%run_scoped3A_90 : memref<!tpu.dma_semaphore, #tpu.memory_space<semaphore_mem>>)
      %dma_wait3A_96 = arith.constant 0 : i32
      %dma_wait3A_97 = tpu.memref_slice %arg4[%arg0, %mul3A_89, %dma_wait3A_96] : memref<2x10240x64xf32, #tpu.memory_space<hbm>> -> memref<1x640x64xf32, #tpu.memory_space<hbm>>
      %dma_wait3A_98 = tpu.memref_squeeze %dma_wait3A_97 : memref<1x640x64xf32, #tpu.memory_space<hbm>> -> memref<640x64xf32, #tpu.memory_space<hbm>>
      %dma_wait3A_99 = arith.constant 0 : i32
      %dma_wait3A_100 = tpu.memref_slice %arg9[%mul3A_87, %dma_wait3A_99] : memref<10240x64xf32, #tpu.memory_space<vmem_shared>> -> memref<640x64xf32, #tpu.memory_space<vmem_shared>>
      tpu.wait_dma2 semaphore(%run_scoped3A_90 : memref<!tpu.dma_semaphore, #tpu.memory_space<semaphore_mem>>) src(%dma_wait3A_100 : memref<640x64xf32, #tpu.memory_space<vmem_shared>>) dst(%dma_wait3A_98 : memref<640x64xf32, #tpu.memory_space<hbm>>)
      tpu.yield
    }) : () -> ()
    return
  }
}

#map = affine_map<(d0, d1) -> (0, 0)>
module attributes {stable_mosaic.version = 14 : i64} {
  func.func @_deg_kernel(%arg0: i32, %arg1: i32, %arg2: memref<2x320000xi32, #tpu.memory_space<hbm>>, %arg3: memref<32x10000xf32, #tpu.memory_space<hbm>>, %arg4: memref<10000xi32, #tpu.memory_space<vmem>>, %arg5: memref<10000xf32, #tpu.memory_space<vmem>>) attributes {dimension_semantics = [#tpu.dimension_semantics<core_parallel>, #tpu.dimension_semantics<subcore_parallel>], iteration_bounds = array<i64: 2, 16>, scalar_prefetch = 0 : i64, scratch_operands = 2 : i64, tpu.core_type = #tpu.core_type<sc_vector_subcore>, window_params = [{transform_indices = #map}, {transform_indices = #map}]} {
    %mul3A = arith.constant 16 : i32
    %mul3A_0 = arith.muli %arg0, %mul3A : i32
    %add3A = arith.addi %mul3A_0, %arg1 : i32
    %mul3A_1 = arith.constant 10000 : i32
    %mul3A_2 = arith.muli %add3A, %mul3A_1 : i32
    %run_scoped3A = arith.constant 1 : i32
    "tpu.region"() ({
      %run_scoped3A_19 = tpu.sem_alloc : memref<!tpu.dma_semaphore, #tpu.memory_space<semaphore_mem>>
      %dma_start3A = tpu.memref_slice %arg2[%run_scoped3A, %mul3A_2] : memref<2x320000xi32, #tpu.memory_space<hbm>> -> memref<1x10000xi32, #tpu.memory_space<hbm>>
      %dma_start3A_20 = tpu.memref_squeeze %dma_start3A : memref<1x10000xi32, #tpu.memory_space<hbm>> -> memref<10000xi32, #tpu.memory_space<hbm>>
      %dma_start3A_21 = tpu.memref_slice %arg2[%run_scoped3A, %mul3A_2] : memref<2x320000xi32, #tpu.memory_space<hbm>> -> memref<1x10000xi32, #tpu.memory_space<hbm>>
      %dma_start3A_22 = tpu.memref_squeeze %dma_start3A_21 : memref<1x10000xi32, #tpu.memory_space<hbm>> -> memref<10000xi32, #tpu.memory_space<hbm>>
      tpu.enqueue_dma source(%dma_start3A_22 : memref<10000xi32, #tpu.memory_space<hbm>>) target(%arg4 : memref<10000xi32, #tpu.memory_space<vmem>>) target_semaphore(%run_scoped3A_19 : memref<!tpu.dma_semaphore, #tpu.memory_space<semaphore_mem>>)
      %dma_wait3A = tpu.memref_slice %arg2[%run_scoped3A, %mul3A_2] : memref<2x320000xi32, #tpu.memory_space<hbm>> -> memref<1x10000xi32, #tpu.memory_space<hbm>>
      %dma_wait3A_23 = tpu.memref_squeeze %dma_wait3A : memref<1x10000xi32, #tpu.memory_space<hbm>> -> memref<10000xi32, #tpu.memory_space<hbm>>
      %dma_wait3A_24 = tpu.memref_slice %arg2[%run_scoped3A, %mul3A_2] : memref<2x320000xi32, #tpu.memory_space<hbm>> -> memref<1x10000xi32, #tpu.memory_space<hbm>>
      %dma_wait3A_25 = tpu.memref_squeeze %dma_wait3A_24 : memref<1x10000xi32, #tpu.memory_space<hbm>> -> memref<10000xi32, #tpu.memory_space<hbm>>
      tpu.wait_dma2 semaphore(%run_scoped3A_19 : memref<!tpu.dma_semaphore, #tpu.memory_space<semaphore_mem>>) src(%dma_wait3A_25 : memref<10000xi32, #tpu.memory_space<hbm>>) dst(%arg4 : memref<10000xi32, #tpu.memory_space<vmem>>)
      tpu.yield
    }) : () -> ()
    %broadcast_in_dim3A = arith.constant 0.000000e+00 : f32
    %broadcast_in_dim3A_3 = vector.broadcast %broadcast_in_dim3A : f32 to vector<16xf32>
    %broadcast_in_dim3A_4 = arith.constant 1.000000e+00 : f32
    %broadcast_in_dim3A_5 = vector.broadcast %broadcast_in_dim3A_4 : f32 to vector<16xf32>
    %scan3A = arith.constant 0 : i32
    %scan3A_6 = arith.constant 0 : i32
    %scan3A_7 = arith.constant 625 : i32
    %scan3A_8 = arith.addi %scan3A_6, %scan3A_7 : i32
    %scan3A_9 = arith.constant 1 : i32
    %scan3A_10 = scf.for %scan3A_19 = %scan3A_6 to %scan3A_8 step %scan3A_9 iter_args(%scan3A_20 = %scan3A) -> (i32)  : i32 {
      %mul3A_21 = arith.constant 16 : i32
      %mul3A_22 = arith.muli %scan3A_19, %mul3A_21 : i32
      %swap3A = arith.index_cast %mul3A_22 : i32 to index
      %swap3A_23 = tpu.vector_load %arg5[%swap3A] {strides = array<i32>} : memref<10000xf32, #tpu.memory_space<vmem>>, vector<16xf32>,
      tpu.vector_store %arg5[%swap3A], %broadcast_in_dim3A_3 {strides = array<i32>} : memref<10000xf32, #tpu.memory_space<vmem>>, vector<16xf32>,
      %scan3A_24 = arith.constant 0 : i32
      scf.yield %scan3A_24 : i32
    }
    %scan3A_11 = arith.constant 625 : i32
    %scan3A_12 = arith.constant 0 : i32
    %scan3A_13 = arith.constant 0 : i32
    %scan3A_14 = arith.constant 625 : i32
    %scan3A_15 = arith.addi %scan3A_13, %scan3A_14 : i32
    %scan3A_16 = arith.constant 1 : i32
    %scan3A_17 = scf.for %scan3A_19 = %scan3A_13 to %scan3A_15 step %scan3A_16 iter_args(%scan3A_20 = %scan3A_12) -> (i32)  : i32 {
      %mul3A_21 = arith.constant 16 : i32
      %mul3A_22 = arith.muli %scan3A_19, %mul3A_21 : i32
      %get3A = arith.index_cast %mul3A_22 : i32 to index
      %get3A_23 = tpu.vector_load %arg4[%get3A] {strides = array<i32>} : memref<10000xi32, #tpu.memory_space<vmem>>, vector<16xi32>,
      tpu.vector_store_idx %arg5[%get3A_23], %broadcast_in_dim3A_5 {add = true} : memref<10000xf32, #tpu.memory_space<vmem>>[vector<16xi32>], vector<16xf32>,
      %scan3A_24 = arith.constant 0 : i32
      scf.yield %scan3A_24 : i32
    }
    %scan3A_18 = arith.constant 625 : i32
    "tpu.region"() ({
      %run_scoped3A_19 = tpu.sem_alloc : memref<!tpu.dma_semaphore, #tpu.memory_space<semaphore_mem>>
      %dma_start3A = arith.constant 0 : i32
      %dma_start3A_20 = tpu.memref_slice %arg3[%add3A, %dma_start3A] : memref<32x10000xf32, #tpu.memory_space<hbm>> -> memref<1x10000xf32, #tpu.memory_space<hbm>>
      %dma_start3A_21 = tpu.memref_squeeze %dma_start3A_20 : memref<1x10000xf32, #tpu.memory_space<hbm>> -> memref<10000xf32, #tpu.memory_space<hbm>>
      %dma_start3A_22 = arith.constant 0 : i32
      %dma_start3A_23 = tpu.memref_slice %arg3[%add3A, %dma_start3A_22] : memref<32x10000xf32, #tpu.memory_space<hbm>> -> memref<1x10000xf32, #tpu.memory_space<hbm>>
      %dma_start3A_24 = tpu.memref_squeeze %dma_start3A_23 : memref<1x10000xf32, #tpu.memory_space<hbm>> -> memref<10000xf32, #tpu.memory_space<hbm>>
      tpu.enqueue_dma source(%arg5 : memref<10000xf32, #tpu.memory_space<vmem>>) target(%dma_start3A_24 : memref<10000xf32, #tpu.memory_space<hbm>>) target_semaphore(%run_scoped3A_19 : memref<!tpu.dma_semaphore, #tpu.memory_space<semaphore_mem>>)
      %dma_wait3A = arith.constant 0 : i32
      %dma_wait3A_25 = tpu.memref_slice %arg3[%add3A, %dma_wait3A] : memref<32x10000xf32, #tpu.memory_space<hbm>> -> memref<1x10000xf32, #tpu.memory_space<hbm>>
      %dma_wait3A_26 = tpu.memref_squeeze %dma_wait3A_25 : memref<1x10000xf32, #tpu.memory_space<hbm>> -> memref<10000xf32, #tpu.memory_space<hbm>>
      %dma_wait3A_27 = arith.constant 0 : i32
      %dma_wait3A_28 = tpu.memref_slice %arg3[%add3A, %dma_wait3A_27] : memref<32x10000xf32, #tpu.memory_space<hbm>> -> memref<1x10000xf32, #tpu.memory_space<hbm>>
      %dma_wait3A_29 = tpu.memref_squeeze %dma_wait3A_28 : memref<1x10000xf32, #tpu.memory_space<hbm>> -> memref<10000xf32, #tpu.memory_space<hbm>>
      tpu.wait_dma2 semaphore(%run_scoped3A_19 : memref<!tpu.dma_semaphore, #tpu.memory_space<semaphore_mem>>) src(%arg5 : memref<10000xf32, #tpu.memory_space<vmem>>) dst(%dma_wait3A_29 : memref<10000xf32, #tpu.memory_space<hbm>>)
      tpu.yield
    }) : () -> ()
    return
  }
}

#map = affine_map<(d0, d1) -> (0, 0)>
#map1 = affine_map<(d0, d1) -> (0, 0, 0)>
module attributes {stable_mosaic.version = 14 : i64} {
  func.func @seg_kernel(%arg0: i32, %arg1: i32, %arg2: memref<10000x128xf32, #tpu.memory_space<hbm>>, %arg3: memref<2x320000xi32, #tpu.memory_space<hbm>>, %arg4: memref<2x10240x128xf32, #tpu.memory_space<hbm>>, %arg5: memref<10000xi32, #tpu.memory_space<vmem>>, %arg6: memref<125x80xi32, #tpu.memory_space<vmem>>, %arg7: memref<80x128xf32, #tpu.memory_space<vmem>>, %arg8: memref<80x128xf32, #tpu.memory_space<vmem>>, %arg9: memref<10240x128xf32, #tpu.memory_space<vmem_shared>>, %arg10: memref<!tpu.dma_semaphore, #tpu.memory_space<semaphore_mem>>, %arg11: memref<!tpu.dma_semaphore, #tpu.memory_space<semaphore_mem>>, %arg12: memref<!tpu.dma_semaphore, #tpu.memory_space<semaphore_mem>>, %arg13: memref<!tpu.dma_semaphore, #tpu.memory_space<semaphore_mem>>) attributes {dimension_semantics = [#tpu.dimension_semantics<core_parallel>, #tpu.dimension_semantics<subcore_parallel>], iteration_bounds = array<i64: 2, 16>, scalar_prefetch = 0 : i64, scratch_operands = 9 : i64, tpu.core_type = #tpu.core_type<sc_vector_subcore>, window_params = [{transform_indices = #map}, {transform_indices = #map}, {transform_indices = #map1}]} {
    %mul3A = arith.constant 16 : i32
    %mul3A_0 = arith.muli %arg0, %mul3A : i32
    %add3A = arith.addi %mul3A_0, %arg1 : i32
    %mul3A_1 = arith.constant 10000 : i32
    %mul3A_2 = arith.muli %add3A, %mul3A_1 : i32
    %scan3A = arith.constant 0 : i32
    %scan3A_3 = arith.constant 0 : i32
    %scan3A_4 = arith.constant 125 : i32
    %scan3A_5 = arith.addi %scan3A_3, %scan3A_4 : i32
    %scan3A_6 = arith.constant 1 : i32
    %scan3A_7 = scf.for %scan3A_90 = %scan3A_3 to %scan3A_5 step %scan3A_6 iter_args(%scan3A_91 = %scan3A) -> (i32)  : i32 {
      %mul3A_92 = arith.constant 80 : i32
      %mul3A_93 = arith.muli %scan3A_90, %mul3A_92 : i32
      %add3A_94 = arith.addi %mul3A_2, %mul3A_93 : i32
      %dma_start3A_95 = arith.constant 1 : i32
      %dma_start3A_96 = arith.constant 0 : i32
      %dma_start3A_97 = tpu.memref_slice %arg6[%scan3A_90, %dma_start3A_96] : memref<125x80xi32, #tpu.memory_space<vmem>> -> memref<1x80xi32, #tpu.memory_space<vmem>>
      %dma_start3A_98 = tpu.memref_squeeze %dma_start3A_97 : memref<1x80xi32, #tpu.memory_space<vmem>> -> memref<80xi32, #tpu.memory_space<vmem>>
      %dma_start3A_99 = tpu.memref_slice %arg3[%dma_start3A_95, %add3A_94] : memref<2x320000xi32, #tpu.memory_space<hbm>> -> memref<1x80xi32, #tpu.memory_space<hbm>>
      %dma_start3A_100 = tpu.memref_squeeze %dma_start3A_99 : memref<1x80xi32, #tpu.memory_space<hbm>> -> memref<80xi32, #tpu.memory_space<hbm>>
      %dma_start3A_101 = arith.constant 0 : i32
      %dma_start3A_102 = tpu.memref_slice %arg6[%scan3A_90, %dma_start3A_101] : memref<125x80xi32, #tpu.memory_space<vmem>> -> memref<1x80xi32, #tpu.memory_space<vmem>>
      %dma_start3A_103 = tpu.memref_squeeze %dma_start3A_102 : memref<1x80xi32, #tpu.memory_space<vmem>> -> memref<80xi32, #tpu.memory_space<vmem>>
      %dma_start3A_104 = tpu.memref_slice %arg3[%dma_start3A_95, %add3A_94] : memref<2x320000xi32, #tpu.memory_space<hbm>> -> memref<1x80xi32, #tpu.memory_space<hbm>>
      %dma_start3A_105 = tpu.memref_squeeze %dma_start3A_104 : memref<1x80xi32, #tpu.memory_space<hbm>> -> memref<80xi32, #tpu.memory_space<hbm>>
      tpu.enqueue_dma source(%dma_start3A_105 : memref<80xi32, #tpu.memory_space<hbm>>) target(%dma_start3A_103 : memref<80xi32, #tpu.memory_space<vmem>>) target_semaphore(%arg13 : memref<!tpu.dma_semaphore, #tpu.memory_space<semaphore_mem>>)
      %scan3A_106 = arith.constant 0 : i32
      scf.yield %scan3A_106 : i32
    }
    %scan3A_8 = arith.constant 125 : i32
    %run_scoped3A = arith.constant 0 : i32
    "tpu.region"() ({
      %run_scoped3A_90 = tpu.sem_alloc : memref<!tpu.dma_semaphore, #tpu.memory_space<semaphore_mem>>
      %dma_start3A_91 = tpu.memref_slice %arg3[%run_scoped3A, %mul3A_2] : memref<2x320000xi32, #tpu.memory_space<hbm>> -> memref<1x10000xi32, #tpu.memory_space<hbm>>
      %dma_start3A_92 = tpu.memref_squeeze %dma_start3A_91 : memref<1x10000xi32, #tpu.memory_space<hbm>> -> memref<10000xi32, #tpu.memory_space<hbm>>
      %dma_start3A_93 = tpu.memref_slice %arg3[%run_scoped3A, %mul3A_2] : memref<2x320000xi32, #tpu.memory_space<hbm>> -> memref<1x10000xi32, #tpu.memory_space<hbm>>
      %dma_start3A_94 = tpu.memref_squeeze %dma_start3A_93 : memref<1x10000xi32, #tpu.memory_space<hbm>> -> memref<10000xi32, #tpu.memory_space<hbm>>
      tpu.enqueue_dma source(%dma_start3A_94 : memref<10000xi32, #tpu.memory_space<hbm>>) target(%arg5 : memref<10000xi32, #tpu.memory_space<vmem>>) target_semaphore(%run_scoped3A_90 : memref<!tpu.dma_semaphore, #tpu.memory_space<semaphore_mem>>)
      %dma_wait3A_95 = tpu.memref_slice %arg3[%run_scoped3A, %mul3A_2] : memref<2x320000xi32, #tpu.memory_space<hbm>> -> memref<1x10000xi32, #tpu.memory_space<hbm>>
      %dma_wait3A_96 = tpu.memref_squeeze %dma_wait3A_95 : memref<1x10000xi32, #tpu.memory_space<hbm>> -> memref<10000xi32, #tpu.memory_space<hbm>>
      %dma_wait3A_97 = tpu.memref_slice %arg3[%run_scoped3A, %mul3A_2] : memref<2x320000xi32, #tpu.memory_space<hbm>> -> memref<1x10000xi32, #tpu.memory_space<hbm>>
      %dma_wait3A_98 = tpu.memref_squeeze %dma_wait3A_97 : memref<1x10000xi32, #tpu.memory_space<hbm>> -> memref<10000xi32, #tpu.memory_space<hbm>>
      tpu.wait_dma2 semaphore(%run_scoped3A_90 : memref<!tpu.dma_semaphore, #tpu.memory_space<semaphore_mem>>) src(%dma_wait3A_98 : memref<10000xi32, #tpu.memory_space<hbm>>) dst(%arg5 : memref<10000xi32, #tpu.memory_space<vmem>>)
      tpu.yield
    }) : () -> ()
    %dma_start3A = arith.constant 0 : i32
    %dma_start3A_9 = tpu.memref_slice %arg5[%dma_start3A] : memref<10000xi32, #tpu.memory_space<vmem>> -> memref<80xi32, #tpu.memory_space<vmem>>
    %dma_start3A_10 = arith.constant 0 : i32
    %dma_start3A_11 = arith.constant 0 : i32
    %dma_start3A_12 = tpu.memref_slice %arg2[%dma_start3A_10, %dma_start3A_11] : memref<10000x128xf32, #tpu.memory_space<hbm>> -> memref<10000x128xf32, #tpu.memory_space<hbm>>
    tpu.enqueue_indirect_dma source(%dma_start3A_12 : memref<10000x128xf32, #tpu.memory_space<hbm>>) target(%arg8 : memref<80x128xf32, #tpu.memory_space<vmem>>) offsets(%dma_start3A_9 : memref<80xi32, #tpu.memory_space<vmem>>) semaphore(%arg11 : memref<!tpu.dma_semaphore, #tpu.memory_space<semaphore_mem>>)
    %broadcast_in_dim3A = arith.constant 0.000000e+00 : f32
    %broadcast_in_dim3A_13 = vector.broadcast %broadcast_in_dim3A : f32 to vector<16xf32>
    %scan3A_14 = arith.constant 0 : i32
    %scan3A_15 = arith.constant 0 : i32
    %scan3A_16 = arith.constant 640 : i32
    %scan3A_17 = arith.addi %scan3A_15, %scan3A_16 : i32
    %scan3A_18 = arith.constant 1 : i32
    %scan3A_19 = scf.for %scan3A_90 = %scan3A_15 to %scan3A_17 step %scan3A_18 iter_args(%scan3A_91 = %scan3A_14) -> (i32)  : i32 {
      %jit3A = arith.constant 8 : i32
      %div3A = arith.divsi %scan3A_90, %jit3A : i32
      %sign3A = arith.constant 0 : i32
      %sign3A_92 = arith.cmpi sgt, %scan3A_90, %sign3A : i32
      %sign3A_93 = arith.extui %sign3A_92 : i1 to i32
      %sign3A_94 = arith.constant 0 : i32
      %sign3A_95 = arith.cmpi slt, %scan3A_90, %sign3A_94 : i32
      %sign3A_96 = arith.extui %sign3A_95 : i1 to i32
      %sign3A_97 = arith.subi %sign3A_93, %sign3A_96 : i32
      %sign3A_98 = arith.constant 0 : i32
      %sign3A_99 = arith.cmpi sgt, %jit3A, %sign3A_98 : i32
      %sign3A_100 = arith.extui %sign3A_99 : i1 to i32
      %sign3A_101 = arith.constant 0 : i32
      %sign3A_102 = arith.cmpi slt, %jit3A, %sign3A_101 : i32
      %sign3A_103 = arith.extui %sign3A_102 : i1 to i32
      %sign3A_104 = arith.subi %sign3A_100, %sign3A_103 : i32
      %ne3A = arith.cmpi ne, %sign3A_97, %sign3A_104 : i32
      %rem3A = arith.remsi %scan3A_90, %jit3A : i32
      %ne3A_105 = arith.constant 0 : i32
      %ne3A_106 = arith.cmpi ne, %rem3A, %ne3A_105 : i32
      %and3A = arith.andi %ne3A, %ne3A_106 : i1
      %sub3A = arith.constant 1 : i32
      %sub3A_107 = arith.subi %div3A, %sub3A : i32
      %select_n3A = arith.select %and3A, %sub3A_107, %div3A : i32
      %jit3A_108 = arith.constant 8 : i32
      %eq3A = arith.constant 0 : i32
      %eq3A_109 = arith.cmpi eq, %jit3A_108, %eq3A : i32
      %jit3A_110 = arith.constant 1 : i32
      %select_n3A_111 = arith.select %eq3A_109, %jit3A_110, %jit3A_108 : i32
      %rem3A_112 = arith.remsi %scan3A_90, %select_n3A_111 : i32
      %ne3A_113 = arith.constant 0 : i32
      %ne3A_114 = arith.cmpi ne, %rem3A_112, %ne3A_113 : i32
      %lt3A = arith.constant 0 : i32
      %lt3A_115 = arith.cmpi slt, %rem3A_112, %lt3A : i32
      %lt3A_116 = arith.constant 0 : i32
      %lt3A_117 = arith.cmpi slt, %select_n3A_111, %lt3A_116 : i32
      %ne3A_118 = arith.xori %lt3A_115, %lt3A_117 : i1
      %and3A_119 = arith.andi %ne3A_118, %ne3A_114 : i1
      %add3A_120 = arith.addi %rem3A_112, %select_n3A_111 : i32
      %select_n3A_121 = arith.select %and3A_119, %add3A_120, %rem3A_112 : i32
      %mul3A_122 = arith.constant 16 : i32
      %mul3A_123 = arith.muli %select_n3A_121, %mul3A_122 : i32
      %swap3A = arith.index_cast %select_n3A : i32 to index
      %swap3A_124 = arith.index_cast %mul3A_123 : i32 to index
      %swap3A_125 = tpu.vector_load %arg7[%swap3A, %swap3A_124] {strides = array<i32>} : memref<80x128xf32, #tpu.memory_space<vmem>>, vector<1x16xf32>,
      %swap3A_126 = vector.shape_cast %swap3A_125 : vector<1x16xf32> to vector<16xf32>
      %swap3A_127 = vector.shape_cast %broadcast_in_dim3A_13 : vector<16xf32> to vector<1x16xf32>
      tpu.vector_store %arg7[%swap3A, %swap3A_124], %swap3A_127 {strides = array<i32>} : memref<80x128xf32, #tpu.memory_space<vmem>>, vector<1x16xf32>,
      %scan3A_128 = arith.constant 0 : i32
      scf.yield %scan3A_128 : i32
    }
    %scan3A_20 = arith.constant 640 : i32
    %mul3A_21 = arith.constant 640 : i32
    %mul3A_22 = arith.muli %arg1, %mul3A_21 : i32
    %add3A_23 = arith.constant 0 : i32
    %add3A_24 = arith.addi %mul3A_22, %add3A_23 : i32
    "tpu.region"() ({
      %run_scoped3A_90 = tpu.sem_alloc : memref<!tpu.dma_semaphore, #tpu.memory_space<semaphore_mem>>
      %dma_start3A_91 = arith.constant 0 : i32
      %dma_start3A_92 = tpu.memref_slice %arg9[%add3A_24, %dma_start3A_91] : memref<10240x128xf32, #tpu.memory_space<vmem_shared>> -> memref<80x128xf32, #tpu.memory_space<vmem_shared>>
      %dma_start3A_93 = arith.constant 0 : i32
      %dma_start3A_94 = tpu.memref_slice %arg9[%add3A_24, %dma_start3A_93] : memref<10240x128xf32, #tpu.memory_space<vmem_shared>> -> memref<80x128xf32, #tpu.memory_space<vmem_shared>>
      tpu.enqueue_dma source(%arg7 : memref<80x128xf32, #tpu.memory_space<vmem>>) target(%dma_start3A_94 : memref<80x128xf32, #tpu.memory_space<vmem_shared>>) target_semaphore(%run_scoped3A_90 : memref<!tpu.dma_semaphore, #tpu.memory_space<semaphore_mem>>)
      %dma_wait3A_95 = arith.constant 0 : i32
      %dma_wait3A_96 = tpu.memref_slice %arg9[%add3A_24, %dma_wait3A_95] : memref<10240x128xf32, #tpu.memory_space<vmem_shared>> -> memref<80x128xf32, #tpu.memory_space<vmem_shared>>
      %dma_wait3A_97 = arith.constant 0 : i32
      %dma_wait3A_98 = tpu.memref_slice %arg9[%add3A_24, %dma_wait3A_97] : memref<10240x128xf32, #tpu.memory_space<vmem_shared>> -> memref<80x128xf32, #tpu.memory_space<vmem_shared>>
      tpu.wait_dma2 semaphore(%run_scoped3A_90 : memref<!tpu.dma_semaphore, #tpu.memory_space<semaphore_mem>>) src(%arg7 : memref<80x128xf32, #tpu.memory_space<vmem>>) dst(%dma_wait3A_98 : memref<80x128xf32, #tpu.memory_space<vmem_shared>>)
      tpu.yield
    }) : () -> ()
    %mul3A_25 = arith.constant 640 : i32
    %mul3A_26 = arith.muli %arg1, %mul3A_25 : i32
    %add3A_27 = arith.constant 80 : i32
    %add3A_28 = arith.addi %mul3A_26, %add3A_27 : i32
    "tpu.region"() ({
      %run_scoped3A_90 = tpu.sem_alloc : memref<!tpu.dma_semaphore, #tpu.memory_space<semaphore_mem>>
      %dma_start3A_91 = arith.constant 0 : i32
      %dma_start3A_92 = tpu.memref_slice %arg9[%add3A_28, %dma_start3A_91] : memref<10240x128xf32, #tpu.memory_space<vmem_shared>> -> memref<80x128xf32, #tpu.memory_space<vmem_shared>>
      %dma_start3A_93 = arith.constant 0 : i32
      %dma_start3A_94 = tpu.memref_slice %arg9[%add3A_28, %dma_start3A_93] : memref<10240x128xf32, #tpu.memory_space<vmem_shared>> -> memref<80x128xf32, #tpu.memory_space<vmem_shared>>
      tpu.enqueue_dma source(%arg7 : memref<80x128xf32, #tpu.memory_space<vmem>>) target(%dma_start3A_94 : memref<80x128xf32, #tpu.memory_space<vmem_shared>>) target_semaphore(%run_scoped3A_90 : memref<!tpu.dma_semaphore, #tpu.memory_space<semaphore_mem>>)
      %dma_wait3A_95 = arith.constant 0 : i32
      %dma_wait3A_96 = tpu.memref_slice %arg9[%add3A_28, %dma_wait3A_95] : memref<10240x128xf32, #tpu.memory_space<vmem_shared>> -> memref<80x128xf32, #tpu.memory_space<vmem_shared>>
      %dma_wait3A_97 = arith.constant 0 : i32
      %dma_wait3A_98 = tpu.memref_slice %arg9[%add3A_28, %dma_wait3A_97] : memref<10240x128xf32, #tpu.memory_space<vmem_shared>> -> memref<80x128xf32, #tpu.memory_space<vmem_shared>>
      tpu.wait_dma2 semaphore(%run_scoped3A_90 : memref<!tpu.dma_semaphore, #tpu.memory_space<semaphore_mem>>) src(%arg7 : memref<80x128xf32, #tpu.memory_space<vmem>>) dst(%dma_wait3A_98 : memref<80x128xf32, #tpu.memory_space<vmem_shared>>)
      tpu.yield
    }) : () -> ()
    %mul3A_29 = arith.constant 640 : i32
    %mul3A_30 = arith.muli %arg1, %mul3A_29 : i32
    %add3A_31 = arith.constant 160 : i32
    %add3A_32 = arith.addi %mul3A_30, %add3A_31 : i32
    "tpu.region"() ({
      %run_scoped3A_90 = tpu.sem_alloc : memref<!tpu.dma_semaphore, #tpu.memory_space<semaphore_mem>>
      %dma_start3A_91 = arith.constant 0 : i32
      %dma_start3A_92 = tpu.memref_slice %arg9[%add3A_32, %dma_start3A_91] : memref<10240x128xf32, #tpu.memory_space<vmem_shared>> -> memref<80x128xf32, #tpu.memory_space<vmem_shared>>
      %dma_start3A_93 = arith.constant 0 : i32
      %dma_start3A_94 = tpu.memref_slice %arg9[%add3A_32, %dma_start3A_93] : memref<10240x128xf32, #tpu.memory_space<vmem_shared>> -> memref<80x128xf32, #tpu.memory_space<vmem_shared>>
      tpu.enqueue_dma source(%arg7 : memref<80x128xf32, #tpu.memory_space<vmem>>) target(%dma_start3A_94 : memref<80x128xf32, #tpu.memory_space<vmem_shared>>) target_semaphore(%run_scoped3A_90 : memref<!tpu.dma_semaphore, #tpu.memory_space<semaphore_mem>>)
      %dma_wait3A_95 = arith.constant 0 : i32
      %dma_wait3A_96 = tpu.memref_slice %arg9[%add3A_32, %dma_wait3A_95] : memref<10240x128xf32, #tpu.memory_space<vmem_shared>> -> memref<80x128xf32, #tpu.memory_space<vmem_shared>>
      %dma_wait3A_97 = arith.constant 0 : i32
      %dma_wait3A_98 = tpu.memref_slice %arg9[%add3A_32, %dma_wait3A_97] : memref<10240x128xf32, #tpu.memory_space<vmem_shared>> -> memref<80x128xf32, #tpu.memory_space<vmem_shared>>
      tpu.wait_dma2 semaphore(%run_scoped3A_90 : memref<!tpu.dma_semaphore, #tpu.memory_space<semaphore_mem>>) src(%arg7 : memref<80x128xf32, #tpu.memory_space<vmem>>) dst(%dma_wait3A_98 : memref<80x128xf32, #tpu.memory_space<vmem_shared>>)
      tpu.yield
    }) : () -> ()
    %mul3A_33 = arith.constant 640 : i32
    %mul3A_34 = arith.muli %arg1, %mul3A_33 : i32
    %add3A_35 = arith.constant 240 : i32
    %add3A_36 = arith.addi %mul3A_34, %add3A_35 : i32
    "tpu.region"() ({
      %run_scoped3A_90 = tpu.sem_alloc : memref<!tpu.dma_semaphore, #tpu.memory_space<semaphore_mem>>
      %dma_start3A_91 = arith.constant 0 : i32
      %dma_start3A_92 = tpu.memref_slice %arg9[%add3A_36, %dma_start3A_91] : memref<10240x128xf32, #tpu.memory_space<vmem_shared>> -> memref<80x128xf32, #tpu.memory_space<vmem_shared>>
      %dma_start3A_93 = arith.constant 0 : i32
      %dma_start3A_94 = tpu.memref_slice %arg9[%add3A_36, %dma_start3A_93] : memref<10240x128xf32, #tpu.memory_space<vmem_shared>> -> memref<80x128xf32, #tpu.memory_space<vmem_shared>>
      tpu.enqueue_dma source(%arg7 : memref<80x128xf32, #tpu.memory_space<vmem>>) target(%dma_start3A_94 : memref<80x128xf32, #tpu.memory_space<vmem_shared>>) target_semaphore(%run_scoped3A_90 : memref<!tpu.dma_semaphore, #tpu.memory_space<semaphore_mem>>)
      %dma_wait3A_95 = arith.constant 0 : i32
      %dma_wait3A_96 = tpu.memref_slice %arg9[%add3A_36, %dma_wait3A_95] : memref<10240x128xf32, #tpu.memory_space<vmem_shared>> -> memref<80x128xf32, #tpu.memory_space<vmem_shared>>
      %dma_wait3A_97 = arith.constant 0 : i32
      %dma_wait3A_98 = tpu.memref_slice %arg9[%add3A_36, %dma_wait3A_97] : memref<10240x128xf32, #tpu.memory_space<vmem_shared>> -> memref<80x128xf32, #tpu.memory_space<vmem_shared>>
      tpu.wait_dma2 semaphore(%run_scoped3A_90 : memref<!tpu.dma_semaphore, #tpu.memory_space<semaphore_mem>>) src(%arg7 : memref<80x128xf32, #tpu.memory_space<vmem>>) dst(%dma_wait3A_98 : memref<80x128xf32, #tpu.memory_space<vmem_shared>>)
      tpu.yield
    }) : () -> ()
    %mul3A_37 = arith.constant 640 : i32
    %mul3A_38 = arith.muli %arg1, %mul3A_37 : i32
    %add3A_39 = arith.constant 320 : i32
    %add3A_40 = arith.addi %mul3A_38, %add3A_39 : i32
    "tpu.region"() ({
      %run_scoped3A_90 = tpu.sem_alloc : memref<!tpu.dma_semaphore, #tpu.memory_space<semaphore_mem>>
      %dma_start3A_91 = arith.constant 0 : i32
      %dma_start3A_92 = tpu.memref_slice %arg9[%add3A_40, %dma_start3A_91] : memref<10240x128xf32, #tpu.memory_space<vmem_shared>> -> memref<80x128xf32, #tpu.memory_space<vmem_shared>>
      %dma_start3A_93 = arith.constant 0 : i32
      %dma_start3A_94 = tpu.memref_slice %arg9[%add3A_40, %dma_start3A_93] : memref<10240x128xf32, #tpu.memory_space<vmem_shared>> -> memref<80x128xf32, #tpu.memory_space<vmem_shared>>
      tpu.enqueue_dma source(%arg7 : memref<80x128xf32, #tpu.memory_space<vmem>>) target(%dma_start3A_94 : memref<80x128xf32, #tpu.memory_space<vmem_shared>>) target_semaphore(%run_scoped3A_90 : memref<!tpu.dma_semaphore, #tpu.memory_space<semaphore_mem>>)
      %dma_wait3A_95 = arith.constant 0 : i32
      %dma_wait3A_96 = tpu.memref_slice %arg9[%add3A_40, %dma_wait3A_95] : memref<10240x128xf32, #tpu.memory_space<vmem_shared>> -> memref<80x128xf32, #tpu.memory_space<vmem_shared>>
      %dma_wait3A_97 = arith.constant 0 : i32
      %dma_wait3A_98 = tpu.memref_slice %arg9[%add3A_40, %dma_wait3A_97] : memref<10240x128xf32, #tpu.memory_space<vmem_shared>> -> memref<80x128xf32, #tpu.memory_space<vmem_shared>>
      tpu.wait_dma2 semaphore(%run_scoped3A_90 : memref<!tpu.dma_semaphore, #tpu.memory_space<semaphore_mem>>) src(%arg7 : memref<80x128xf32, #tpu.memory_space<vmem>>) dst(%dma_wait3A_98 : memref<80x128xf32, #tpu.memory_space<vmem_shared>>)
      tpu.yield
    }) : () -> ()
    %mul3A_41 = arith.constant 640 : i32
    %mul3A_42 = arith.muli %arg1, %mul3A_41 : i32
    %add3A_43 = arith.constant 400 : i32
    %add3A_44 = arith.addi %mul3A_42, %add3A_43 : i32
    "tpu.region"() ({
      %run_scoped3A_90 = tpu.sem_alloc : memref<!tpu.dma_semaphore, #tpu.memory_space<semaphore_mem>>
      %dma_start3A_91 = arith.constant 0 : i32
      %dma_start3A_92 = tpu.memref_slice %arg9[%add3A_44, %dma_start3A_91] : memref<10240x128xf32, #tpu.memory_space<vmem_shared>> -> memref<80x128xf32, #tpu.memory_space<vmem_shared>>
      %dma_start3A_93 = arith.constant 0 : i32
      %dma_start3A_94 = tpu.memref_slice %arg9[%add3A_44, %dma_start3A_93] : memref<10240x128xf32, #tpu.memory_space<vmem_shared>> -> memref<80x128xf32, #tpu.memory_space<vmem_shared>>
      tpu.enqueue_dma source(%arg7 : memref<80x128xf32, #tpu.memory_space<vmem>>) target(%dma_start3A_94 : memref<80x128xf32, #tpu.memory_space<vmem_shared>>) target_semaphore(%run_scoped3A_90 : memref<!tpu.dma_semaphore, #tpu.memory_space<semaphore_mem>>)
      %dma_wait3A_95 = arith.constant 0 : i32
      %dma_wait3A_96 = tpu.memref_slice %arg9[%add3A_44, %dma_wait3A_95] : memref<10240x128xf32, #tpu.memory_space<vmem_shared>> -> memref<80x128xf32, #tpu.memory_space<vmem_shared>>
      %dma_wait3A_97 = arith.constant 0 : i32
      %dma_wait3A_98 = tpu.memref_slice %arg9[%add3A_44, %dma_wait3A_97] : memref<10240x128xf32, #tpu.memory_space<vmem_shared>> -> memref<80x128xf32, #tpu.memory_space<vmem_shared>>
      tpu.wait_dma2 semaphore(%run_scoped3A_90 : memref<!tpu.dma_semaphore, #tpu.memory_space<semaphore_mem>>) src(%arg7 : memref<80x128xf32, #tpu.memory_space<vmem>>) dst(%dma_wait3A_98 : memref<80x128xf32, #tpu.memory_space<vmem_shared>>)
      tpu.yield
    }) : () -> ()
    %mul3A_45 = arith.constant 640 : i32
    %mul3A_46 = arith.muli %arg1, %mul3A_45 : i32
    %add3A_47 = arith.constant 480 : i32
    %add3A_48 = arith.addi %mul3A_46, %add3A_47 : i32
    "tpu.region"() ({
      %run_scoped3A_90 = tpu.sem_alloc : memref<!tpu.dma_semaphore, #tpu.memory_space<semaphore_mem>>
      %dma_start3A_91 = arith.constant 0 : i32
      %dma_start3A_92 = tpu.memref_slice %arg9[%add3A_48, %dma_start3A_91] : memref<10240x128xf32, #tpu.memory_space<vmem_shared>> -> memref<80x128xf32, #tpu.memory_space<vmem_shared>>
      %dma_start3A_93 = arith.constant 0 : i32
      %dma_start3A_94 = tpu.memref_slice %arg9[%add3A_48, %dma_start3A_93] : memref<10240x128xf32, #tpu.memory_space<vmem_shared>> -> memref<80x128xf32, #tpu.memory_space<vmem_shared>>
      tpu.enqueue_dma source(%arg7 : memref<80x128xf32, #tpu.memory_space<vmem>>) target(%dma_start3A_94 : memref<80x128xf32, #tpu.memory_space<vmem_shared>>) target_semaphore(%run_scoped3A_90 : memref<!tpu.dma_semaphore, #tpu.memory_space<semaphore_mem>>)
      %dma_wait3A_95 = arith.constant 0 : i32
      %dma_wait3A_96 = tpu.memref_slice %arg9[%add3A_48, %dma_wait3A_95] : memref<10240x128xf32, #tpu.memory_space<vmem_shared>> -> memref<80x128xf32, #tpu.memory_space<vmem_shared>>
      %dma_wait3A_97 = arith.constant 0 : i32
      %dma_wait3A_98 = tpu.memref_slice %arg9[%add3A_48, %dma_wait3A_97] : memref<10240x128xf32, #tpu.memory_space<vmem_shared>> -> memref<80x128xf32, #tpu.memory_space<vmem_shared>>
      tpu.wait_dma2 semaphore(%run_scoped3A_90 : memref<!tpu.dma_semaphore, #tpu.memory_space<semaphore_mem>>) src(%arg7 : memref<80x128xf32, #tpu.memory_space<vmem>>) dst(%dma_wait3A_98 : memref<80x128xf32, #tpu.memory_space<vmem_shared>>)
      tpu.yield
    }) : () -> ()
    %mul3A_49 = arith.constant 640 : i32
    %mul3A_50 = arith.muli %arg1, %mul3A_49 : i32
    %add3A_51 = arith.constant 560 : i32
    %add3A_52 = arith.addi %mul3A_50, %add3A_51 : i32
    "tpu.region"() ({
      %run_scoped3A_90 = tpu.sem_alloc : memref<!tpu.dma_semaphore, #tpu.memory_space<semaphore_mem>>
      %dma_start3A_91 = arith.constant 0 : i32
      %dma_start3A_92 = tpu.memref_slice %arg9[%add3A_52, %dma_start3A_91] : memref<10240x128xf32, #tpu.memory_space<vmem_shared>> -> memref<80x128xf32, #tpu.memory_space<vmem_shared>>
      %dma_start3A_93 = arith.constant 0 : i32
      %dma_start3A_94 = tpu.memref_slice %arg9[%add3A_52, %dma_start3A_93] : memref<10240x128xf32, #tpu.memory_space<vmem_shared>> -> memref<80x128xf32, #tpu.memory_space<vmem_shared>>
      tpu.enqueue_dma source(%arg7 : memref<80x128xf32, #tpu.memory_space<vmem>>) target(%dma_start3A_94 : memref<80x128xf32, #tpu.memory_space<vmem_shared>>) target_semaphore(%run_scoped3A_90 : memref<!tpu.dma_semaphore, #tpu.memory_space<semaphore_mem>>)
      %dma_wait3A_95 = arith.constant 0 : i32
      %dma_wait3A_96 = tpu.memref_slice %arg9[%add3A_52, %dma_wait3A_95] : memref<10240x128xf32, #tpu.memory_space<vmem_shared>> -> memref<80x128xf32, #tpu.memory_space<vmem_shared>>
      %dma_wait3A_97 = arith.constant 0 : i32
      %dma_wait3A_98 = tpu.memref_slice %arg9[%add3A_52, %dma_wait3A_97] : memref<10240x128xf32, #tpu.memory_space<vmem_shared>> -> memref<80x128xf32, #tpu.memory_space<vmem_shared>>
      tpu.wait_dma2 semaphore(%run_scoped3A_90 : memref<!tpu.dma_semaphore, #tpu.memory_space<semaphore_mem>>) src(%arg7 : memref<80x128xf32, #tpu.memory_space<vmem>>) dst(%dma_wait3A_98 : memref<80x128xf32, #tpu.memory_space<vmem_shared>>)
      tpu.yield
    }) : () -> ()
    %scan3A_53 = arith.constant 0 : i32
    %scan3A_54 = arith.constant 0 : i32
    %scan3A_55 = arith.constant 125 : i32
    %scan3A_56 = arith.addi %scan3A_54, %scan3A_55 : i32
    %scan3A_57 = arith.constant 1 : i32
    %scan3A_58 = scf.for %scan3A_90 = %scan3A_54 to %scan3A_56 step %scan3A_57 iter_args(%scan3A_91 = %scan3A_53) -> (i32)  : i32 {
      %mul3A_92 = arith.constant 80 : i32
      %mul3A_93 = arith.muli %scan3A_90, %mul3A_92 : i32
      %add3A_94 = arith.addi %mul3A_2, %mul3A_93 : i32
      %dma_wait3A_95 = arith.constant 1 : i32
      %dma_wait3A_96 = arith.constant 0 : i32
      %dma_wait3A_97 = tpu.memref_slice %arg6[%scan3A_90, %dma_wait3A_96] : memref<125x80xi32, #tpu.memory_space<vmem>> -> memref<1x80xi32, #tpu.memory_space<vmem>>
      %dma_wait3A_98 = tpu.memref_squeeze %dma_wait3A_97 : memref<1x80xi32, #tpu.memory_space<vmem>> -> memref<80xi32, #tpu.memory_space<vmem>>
      %dma_wait3A_99 = tpu.memref_slice %arg3[%dma_wait3A_95, %add3A_94] : memref<2x320000xi32, #tpu.memory_space<hbm>> -> memref<1x80xi32, #tpu.memory_space<hbm>>
      %dma_wait3A_100 = tpu.memref_squeeze %dma_wait3A_99 : memref<1x80xi32, #tpu.memory_space<hbm>> -> memref<80xi32, #tpu.memory_space<hbm>>
      %dma_wait3A_101 = arith.constant 0 : i32
      %dma_wait3A_102 = tpu.memref_slice %arg6[%scan3A_90, %dma_wait3A_101] : memref<125x80xi32, #tpu.memory_space<vmem>> -> memref<1x80xi32, #tpu.memory_space<vmem>>
      %dma_wait3A_103 = tpu.memref_squeeze %dma_wait3A_102 : memref<1x80xi32, #tpu.memory_space<vmem>> -> memref<80xi32, #tpu.memory_space<vmem>>
      %dma_wait3A_104 = tpu.memref_slice %arg3[%dma_wait3A_95, %add3A_94] : memref<2x320000xi32, #tpu.memory_space<hbm>> -> memref<1x80xi32, #tpu.memory_space<hbm>>
      %dma_wait3A_105 = tpu.memref_squeeze %dma_wait3A_104 : memref<1x80xi32, #tpu.memory_space<hbm>> -> memref<80xi32, #tpu.memory_space<hbm>>
      tpu.wait_dma2 semaphore(%arg13 : memref<!tpu.dma_semaphore, #tpu.memory_space<semaphore_mem>>) src(%dma_wait3A_105 : memref<80xi32, #tpu.memory_space<hbm>>) dst(%dma_wait3A_103 : memref<80xi32, #tpu.memory_space<vmem>>)
      %scan3A_106 = arith.constant 0 : i32
      scf.yield %scan3A_106 : i32
    }
    %scan3A_59 = arith.constant 125 : i32
    %barrier3A = arith.constant 0 : index
    tpu.barrier barrier_id(%barrier3A)
    %scan3A_60 = arith.constant 0 : i32
    %scan3A_61 = arith.constant 0 : i32
    %scan3A_62 = arith.constant 62 : i32
    %scan3A_63 = arith.addi %scan3A_61, %scan3A_62 : i32
    %scan3A_64 = arith.constant 1 : i32
    %scan3A_65 = scf.for %scan3A_90 = %scan3A_61 to %scan3A_63 step %scan3A_64 iter_args(%scan3A_91 = %scan3A_60) -> (i32)  : i32 {
      %mul3A_92 = arith.constant 2 : i32
      %mul3A_93 = arith.muli %scan3A_90, %mul3A_92 : i32
      %add3A_94 = arith.constant 1 : i32
      %add3A_95 = arith.addi %mul3A_93, %add3A_94 : i32
      %mul3A_96 = arith.constant 80 : i32
      %mul3A_97 = arith.muli %add3A_95, %mul3A_96 : i32
      %dma_start3A_98 = tpu.memref_slice %arg5[%mul3A_97] : memref<10000xi32, #tpu.memory_space<vmem>> -> memref<80xi32, #tpu.memory_space<vmem>>
      %dma_start3A_99 = arith.constant 0 : i32
      %dma_start3A_100 = arith.constant 0 : i32
      %dma_start3A_101 = tpu.memref_slice %arg2[%dma_start3A_99, %dma_start3A_100] : memref<10000x128xf32, #tpu.memory_space<hbm>> -> memref<10000x128xf32, #tpu.memory_space<hbm>>
      tpu.enqueue_indirect_dma source(%dma_start3A_101 : memref<10000x128xf32, #tpu.memory_space<hbm>>) target(%arg7 : memref<80x128xf32, #tpu.memory_space<vmem>>) offsets(%dma_start3A_98 : memref<80xi32, #tpu.memory_space<vmem>>) semaphore(%arg10 : memref<!tpu.dma_semaphore, #tpu.memory_space<semaphore_mem>>)
      %mul3A_102 = arith.constant 80 : i32
      %mul3A_103 = arith.muli %mul3A_93, %mul3A_102 : i32
      %dma_wait3A_104 = tpu.memref_slice %arg5[%mul3A_103] : memref<10000xi32, #tpu.memory_space<vmem>> -> memref<80xi32, #tpu.memory_space<vmem>>
      %dma_wait3A_105 = arith.constant 0 : i32
      %dma_wait3A_106 = arith.constant 0 : i32
      %dma_wait3A_107 = tpu.memref_slice %arg2[%dma_wait3A_105, %dma_wait3A_106] : memref<10000x128xf32, #tpu.memory_space<hbm>> -> memref<10000x128xf32, #tpu.memory_space<hbm>>
      tpu.wait_indirect_dma semaphore(%arg11 : memref<!tpu.dma_semaphore, #tpu.memory_space<semaphore_mem>>) src(%dma_wait3A_107 : memref<10000x128xf32, #tpu.memory_space<hbm>>) dst(%arg8 : memref<80x128xf32, #tpu.memory_space<vmem>>)
      %dma_start3A_108 = arith.constant 0 : i32
      %dma_start3A_109 = tpu.memref_slice %arg6[%mul3A_93, %dma_start3A_108] : memref<125x80xi32, #tpu.memory_space<vmem>> -> memref<1x80xi32, #tpu.memory_space<vmem>>
      %dma_start3A_110 = tpu.memref_squeeze %dma_start3A_109 : memref<1x80xi32, #tpu.memory_space<vmem>> -> memref<80xi32, #tpu.memory_space<vmem>>
      %dma_start3A_111 = arith.constant 0 : i32
      %dma_start3A_112 = arith.constant 0 : i32
      %dma_start3A_113 = tpu.memref_slice %arg9[%dma_start3A_111, %dma_start3A_112] : memref<10240x128xf32, #tpu.memory_space<vmem_shared>> -> memref<10240x128xf32, #tpu.memory_space<vmem_shared>>
      tpu.enqueue_indirect_dma source(%arg8 : memref<80x128xf32, #tpu.memory_space<vmem>>) target(%dma_start3A_113 : memref<10240x128xf32, #tpu.memory_space<vmem_shared>>) offsets(%dma_start3A_110 : memref<80xi32, #tpu.memory_space<vmem>>) semaphore(%arg12 : memref<!tpu.dma_semaphore, #tpu.memory_space<semaphore_mem>>) {add = true}
      %dma_wait3A_114 = arith.constant 0 : i32
      %dma_wait3A_115 = tpu.memref_slice %arg6[%mul3A_93, %dma_wait3A_114] : memref<125x80xi32, #tpu.memory_space<vmem>> -> memref<1x80xi32, #tpu.memory_space<vmem>>
      %dma_wait3A_116 = tpu.memref_squeeze %dma_wait3A_115 : memref<1x80xi32, #tpu.memory_space<vmem>> -> memref<80xi32, #tpu.memory_space<vmem>>
      %dma_wait3A_117 = arith.constant 0 : i32
      %dma_wait3A_118 = arith.constant 0 : i32
      %dma_wait3A_119 = tpu.memref_slice %arg9[%dma_wait3A_117, %dma_wait3A_118] : memref<10240x128xf32, #tpu.memory_space<vmem_shared>> -> memref<10240x128xf32, #tpu.memory_space<vmem_shared>>
      tpu.wait_indirect_dma semaphore(%arg12 : memref<!tpu.dma_semaphore, #tpu.memory_space<semaphore_mem>>) src(%arg8 : memref<80x128xf32, #tpu.memory_space<vmem>>) dst(%dma_wait3A_119 : memref<10240x128xf32, #tpu.memory_space<vmem_shared>>)
      %add3A_120 = arith.constant 2 : i32
      %add3A_121 = arith.addi %mul3A_93, %add3A_120 : i32
      %mul3A_122 = arith.constant 80 : i32
      %mul3A_123 = arith.muli %add3A_121, %mul3A_122 : i32
      %dma_start3A_124 = tpu.memref_slice %arg5[%mul3A_123] : memref<10000xi32, #tpu.memory_space<vmem>> -> memref<80xi32, #tpu.memory_space<vmem>>
      %dma_start3A_125 = arith.constant 0 : i32
      %dma_start3A_126 = arith.constant 0 : i32
      %dma_start3A_127 = tpu.memref_slice %arg2[%dma_start3A_125, %dma_start3A_126] : memref<10000x128xf32, #tpu.memory_space<hbm>> -> memref<10000x128xf32, #tpu.memory_space<hbm>>
      tpu.enqueue_indirect_dma source(%dma_start3A_127 : memref<10000x128xf32, #tpu.memory_space<hbm>>) target(%arg8 : memref<80x128xf32, #tpu.memory_space<vmem>>) offsets(%dma_start3A_124 : memref<80xi32, #tpu.memory_space<vmem>>) semaphore(%arg11 : memref<!tpu.dma_semaphore, #tpu.memory_space<semaphore_mem>>)
      %add3A_128 = arith.constant 1 : i32
      %add3A_129 = arith.addi %mul3A_93, %add3A_128 : i32
      %mul3A_130 = arith.constant 80 : i32
      %mul3A_131 = arith.muli %add3A_129, %mul3A_130 : i32
      %dma_wait3A_132 = tpu.memref_slice %arg5[%mul3A_131] : memref<10000xi32, #tpu.memory_space<vmem>> -> memref<80xi32, #tpu.memory_space<vmem>>
      %dma_wait3A_133 = arith.constant 0 : i32
      %dma_wait3A_134 = arith.constant 0 : i32
      %dma_wait3A_135 = tpu.memref_slice %arg2[%dma_wait3A_133, %dma_wait3A_134] : memref<10000x128xf32, #tpu.memory_space<hbm>> -> memref<10000x128xf32, #tpu.memory_space<hbm>>
      tpu.wait_indirect_dma semaphore(%arg10 : memref<!tpu.dma_semaphore, #tpu.memory_space<semaphore_mem>>) src(%dma_wait3A_135 : memref<10000x128xf32, #tpu.memory_space<hbm>>) dst(%arg7 : memref<80x128xf32, #tpu.memory_space<vmem>>)
      %add3A_136 = arith.constant 1 : i32
      %add3A_137 = arith.addi %mul3A_93, %add3A_136 : i32
      %dma_start3A_138 = arith.constant 0 : i32
      %dma_start3A_139 = tpu.memref_slice %arg6[%add3A_137, %dma_start3A_138] : memref<125x80xi32, #tpu.memory_space<vmem>> -> memref<1x80xi32, #tpu.memory_space<vmem>>
      %dma_start3A_140 = tpu.memref_squeeze %dma_start3A_139 : memref<1x80xi32, #tpu.memory_space<vmem>> -> memref<80xi32, #tpu.memory_space<vmem>>
      %dma_start3A_141 = arith.constant 0 : i32
      %dma_start3A_142 = arith.constant 0 : i32
      %dma_start3A_143 = tpu.memref_slice %arg9[%dma_start3A_141, %dma_start3A_142] : memref<10240x128xf32, #tpu.memory_space<vmem_shared>> -> memref<10240x128xf32, #tpu.memory_space<vmem_shared>>
      tpu.enqueue_indirect_dma source(%arg7 : memref<80x128xf32, #tpu.memory_space<vmem>>) target(%dma_start3A_143 : memref<10240x128xf32, #tpu.memory_space<vmem_shared>>) offsets(%dma_start3A_140 : memref<80xi32, #tpu.memory_space<vmem>>) semaphore(%arg12 : memref<!tpu.dma_semaphore, #tpu.memory_space<semaphore_mem>>) {add = true}
      %dma_wait3A_144 = arith.constant 0 : i32
      %dma_wait3A_145 = tpu.memref_slice %arg6[%add3A_137, %dma_wait3A_144] : memref<125x80xi32, #tpu.memory_space<vmem>> -> memref<1x80xi32, #tpu.memory_space<vmem>>
      %dma_wait3A_146 = tpu.memref_squeeze %dma_wait3A_145 : memref<1x80xi32, #tpu.memory_space<vmem>> -> memref<80xi32, #tpu.memory_space<vmem>>
      %dma_wait3A_147 = arith.constant 0 : i32
      %dma_wait3A_148 = arith.constant 0 : i32
      %dma_wait3A_149 = tpu.memref_slice %arg9[%dma_wait3A_147, %dma_wait3A_148] : memref<10240x128xf32, #tpu.memory_space<vmem_shared>> -> memref<10240x128xf32, #tpu.memory_space<vmem_shared>>
      tpu.wait_indirect_dma semaphore(%arg12 : memref<!tpu.dma_semaphore, #tpu.memory_space<semaphore_mem>>) src(%arg7 : memref<80x128xf32, #tpu.memory_space<vmem>>) dst(%dma_wait3A_149 : memref<10240x128xf32, #tpu.memory_space<vmem_shared>>)
      %scan3A_150 = arith.constant 0 : i32
      scf.yield %scan3A_150 : i32
    }
    %scan3A_66 = arith.constant 62 : i32
    %dma_wait3A = arith.constant 9920 : i32
    %dma_wait3A_67 = tpu.memref_slice %arg5[%dma_wait3A] : memref<10000xi32, #tpu.memory_space<vmem>> -> memref<80xi32, #tpu.memory_space<vmem>>
    %dma_wait3A_68 = arith.constant 0 : i32
    %dma_wait3A_69 = arith.constant 0 : i32
    %dma_wait3A_70 = tpu.memref_slice %arg2[%dma_wait3A_68, %dma_wait3A_69] : memref<10000x128xf32, #tpu.memory_space<hbm>> -> memref<10000x128xf32, #tpu.memory_space<hbm>>
    tpu.wait_indirect_dma semaphore(%arg11 : memref<!tpu.dma_semaphore, #tpu.memory_space<semaphore_mem>>) src(%dma_wait3A_70 : memref<10000x128xf32, #tpu.memory_space<hbm>>) dst(%arg8 : memref<80x128xf32, #tpu.memory_space<vmem>>)
    %dma_start3A_71 = arith.constant 124 : i32
    %dma_start3A_72 = arith.constant 0 : i32
    %dma_start3A_73 = tpu.memref_slice %arg6[%dma_start3A_71, %dma_start3A_72] : memref<125x80xi32, #tpu.memory_space<vmem>> -> memref<1x80xi32, #tpu.memory_space<vmem>>
    %dma_start3A_74 = tpu.memref_squeeze %dma_start3A_73 : memref<1x80xi32, #tpu.memory_space<vmem>> -> memref<80xi32, #tpu.memory_space<vmem>>
    %dma_start3A_75 = arith.constant 0 : i32
    %dma_start3A_76 = arith.constant 0 : i32
    %dma_start3A_77 = tpu.memref_slice %arg9[%dma_start3A_75, %dma_start3A_76] : memref<10240x128xf32, #tpu.memory_space<vmem_shared>> -> memref<10240x128xf32, #tpu.memory_space<vmem_shared>>
    tpu.enqueue_indirect_dma source(%arg8 : memref<80x128xf32, #tpu.memory_space<vmem>>) target(%dma_start3A_77 : memref<10240x128xf32, #tpu.memory_space<vmem_shared>>) offsets(%dma_start3A_74 : memref<80xi32, #tpu.memory_space<vmem>>) semaphore(%arg12 : memref<!tpu.dma_semaphore, #tpu.memory_space<semaphore_mem>>) {add = true}
    %dma_wait3A_78 = arith.constant 124 : i32
    %dma_wait3A_79 = arith.constant 0 : i32
    %dma_wait3A_80 = tpu.memref_slice %arg6[%dma_wait3A_78, %dma_wait3A_79] : memref<125x80xi32, #tpu.memory_space<vmem>> -> memref<1x80xi32, #tpu.memory_space<vmem>>
    %dma_wait3A_81 = tpu.memref_squeeze %dma_wait3A_80 : memref<1x80xi32, #tpu.memory_space<vmem>> -> memref<80xi32, #tpu.memory_space<vmem>>
    %dma_wait3A_82 = arith.constant 0 : i32
    %dma_wait3A_83 = arith.constant 0 : i32
    %dma_wait3A_84 = tpu.memref_slice %arg9[%dma_wait3A_82, %dma_wait3A_83] : memref<10240x128xf32, #tpu.memory_space<vmem_shared>> -> memref<10240x128xf32, #tpu.memory_space<vmem_shared>>
    tpu.wait_indirect_dma semaphore(%arg12 : memref<!tpu.dma_semaphore, #tpu.memory_space<semaphore_mem>>) src(%arg8 : memref<80x128xf32, #tpu.memory_space<vmem>>) dst(%dma_wait3A_84 : memref<10240x128xf32, #tpu.memory_space<vmem_shared>>)
    %barrier3A_85 = arith.constant 0 : index
    tpu.barrier barrier_id(%barrier3A_85)
    %mul3A_86 = arith.constant 640 : i32
    %mul3A_87 = arith.muli %arg1, %mul3A_86 : i32
    %mul3A_88 = arith.constant 640 : i32
    %mul3A_89 = arith.muli %arg1, %mul3A_88 : i32
    "tpu.region"() ({
      %run_scoped3A_90 = tpu.sem_alloc : memref<!tpu.dma_semaphore, #tpu.memory_space<semaphore_mem>>
      %dma_start3A_91 = arith.constant 0 : i32
      %dma_start3A_92 = tpu.memref_slice %arg4[%arg0, %mul3A_89, %dma_start3A_91] : memref<2x10240x128xf32, #tpu.memory_space<hbm>> -> memref<1x640x128xf32, #tpu.memory_space<hbm>>
      %dma_start3A_93 = tpu.memref_squeeze %dma_start3A_92 : memref<1x640x128xf32, #tpu.memory_space<hbm>> -> memref<640x128xf32, #tpu.memory_space<hbm>>
      %dma_start3A_94 = arith.constant 0 : i32
      %dma_start3A_95 = tpu.memref_slice %arg9[%mul3A_87, %dma_start3A_94] : memref<10240x128xf32, #tpu.memory_space<vmem_shared>> -> memref<640x128xf32, #tpu.memory_space<vmem_shared>>
      tpu.enqueue_dma source(%dma_start3A_95 : memref<640x128xf32, #tpu.memory_space<vmem_shared>>) target(%dma_start3A_93 : memref<640x128xf32, #tpu.memory_space<hbm>>) target_semaphore(%run_scoped3A_90 : memref<!tpu.dma_semaphore, #tpu.memory_space<semaphore_mem>>)
      %dma_wait3A_96 = arith.constant 0 : i32
      %dma_wait3A_97 = tpu.memref_slice %arg4[%arg0, %mul3A_89, %dma_wait3A_96] : memref<2x10240x128xf32, #tpu.memory_space<hbm>> -> memref<1x640x128xf32, #tpu.memory_space<hbm>>
      %dma_wait3A_98 = tpu.memref_squeeze %dma_wait3A_97 : memref<1x640x128xf32, #tpu.memory_space<hbm>> -> memref<640x128xf32, #tpu.memory_space<hbm>>
      %dma_wait3A_99 = arith.constant 0 : i32
      %dma_wait3A_100 = tpu.memref_slice %arg9[%mul3A_87, %dma_wait3A_99] : memref<10240x128xf32, #tpu.memory_space<vmem_shared>> -> memref<640x128xf32, #tpu.memory_space<vmem_shared>>
      tpu.wait_dma2 semaphore(%run_scoped3A_90 : memref<!tpu.dma_semaphore, #tpu.memory_space<semaphore_mem>>) src(%dma_wait3A_100 : memref<640x128xf32, #tpu.memory_space<vmem_shared>>) dst(%dma_wait3A_98 : memref<640x128xf32, #tpu.memory_space<hbm>>)
      tpu.yield
    }) : () -> ()
    return
  }
}

module attributes {stable_mosaic.version = 14 : i64} {
  func.func @_tc1a_body(%arg0: i32, %arg1: memref<2000x128xf32, #tpu.memory_space<vmem>>, %arg2: memref<128x128xf32, #tpu.memory_space<vmem>>, %arg3: memref<2000x128xf32, #tpu.memory_space<vmem>>) attributes {dimension_semantics = [#tpu.dimension_semantics<arbitrary>], iteration_bounds = array<i64: 5>, scalar_prefetch = 0 : i64, scratch_operands = 0 : i64, tpu.core_type = #tpu.core_type<tc>, window_params = [{transform_indices = @transform_0, window_bounds = array<i64: 2000, 128>}, {pipeline_mode = #tpu.pipeline_mode<synchronous>, transform_indices = @transform_1, window_bounds = array<i64: 128, 128>}, {transform_indices = @transform_2, window_bounds = array<i64: 2000, 128>}]} {
    %get3A = arith.constant 0 : index
    %get3A_0 = arith.constant 0 : index
    %get3A_1 = vector.load %arg1[%get3A, %get3A_0] : memref<2000x128xf32, #tpu.memory_space<vmem>>, vector<2000x128xf32>
    %get3A_2 = arith.constant 0 : index
    %get3A_3 = arith.constant 0 : index
    %get3A_4 = vector.load %arg2[%get3A_2, %get3A_3] : memref<128x128xf32, #tpu.memory_space<vmem>>, vector<128x128xf32>
    %dot_general3A = arith.constant dense<0.000000e+00> : vector<2000x128xf32>
    %dot_general3A_5 = tpu.matmul %get3A_1, %get3A_4, %dot_general3A {dimension_numbers = #tpu.dot_dimension_numbers<[1], [0], [0], [1], [0, 0, 1, 1], [], []>, transpose_lhs_hint = false} : vector<2000x128xf32>, vector<128x128xf32>, vector<2000x128xf32> -> vector<2000x128xf32>
    %swap3A = arith.constant 0 : index
    %swap3A_6 = arith.constant 0 : index
    %swap3A_7 = vector.load %arg3[%swap3A, %swap3A_6] : memref<2000x128xf32, #tpu.memory_space<vmem>>, vector<2000x128xf32>
    tpu.vector_store %arg3[%swap3A, %swap3A_6], %dot_general3A_5 {strides = array<i32>} : memref<2000x128xf32, #tpu.memory_space<vmem>>, vector<2000x128xf32>,
    return
  }
  func.func @transform_0(%arg0: i32) -> (i32, i32) {
    %c0_i32 = arith.constant 0 : i32
    %c0_i32_0 = arith.constant 0 : i32
    return %arg0, %c0_i32 : i32, i32
  }
  func.func @transform_1(%arg0: i32) -> (i32, i32) {
    %c0_i32 = arith.constant 0 : i32
    %c0_i32_0 = arith.constant 0 : i32
    %c0_i32_1 = arith.constant 0 : i32
    return %c0_i32, %c0_i32_0 : i32, i32
  }
  func.func @transform_2(%arg0: i32) -> (i32, i32) {
    %c0_i32 = arith.constant 0 : i32
    %c0_i32_0 = arith.constant 0 : i32
    return %arg0, %c0_i32 : i32, i32
  }
}

module attributes {stable_mosaic.version = 14 : i64} {
  func.func @_tc1b_body(%arg0: i32, %arg1: memref<2000x32xf32, #tpu.memory_space<vmem>>, %arg2: memref<2000x128xf32, #tpu.memory_space<vmem>>, %arg3: memref<2000x128xf32, #tpu.memory_space<vmem>>) attributes {dimension_semantics = [#tpu.dimension_semantics<arbitrary>], iteration_bounds = array<i64: 5>, scalar_prefetch = 0 : i64, scratch_operands = 0 : i64, tpu.core_type = #tpu.core_type<tc>, window_params = [{transform_indices = @transform_0, window_bounds = array<i64: 2000, 32>}, {transform_indices = @transform_1, window_bounds = array<i64: 2000, 128>}, {transform_indices = @transform_2, window_bounds = array<i64: 2000, 128>}]} {
    %get3A = arith.constant 0 : index
    %get3A_0 = arith.constant 0 : index
    %get3A_1 = vector.load %arg1[%get3A, %get3A_0] : memref<2000x32xf32, #tpu.memory_space<vmem>>, vector<2000x32xf32>
    %reduce_sum3A = arith.constant dense<0.000000e+00> : vector<2000xf32>
    %reduce_sum3A_2 = vector.multi_reduction <add>, %get3A_1, %reduce_sum3A [1] : vector<2000x32xf32> to vector<2000xf32>
    %add3A = arith.constant 1.000000e+00 : f32
    %add3A_3 = vector.broadcast %add3A : f32 to vector<2000xf32>
    %add3A_4 = arith.addf %add3A_3, %reduce_sum3A_2 : vector<2000xf32>
    %rsqrt3A = math.rsqrt %add3A_4 : vector<2000xf32>
    %get3A_5 = arith.constant 0 : index
    %get3A_6 = arith.constant 0 : index
    %get3A_7 = vector.load %arg2[%get3A_5, %get3A_6] : memref<2000x128xf32, #tpu.memory_space<vmem>>, vector<2000x128xf32>
    %broadcast_in_dim3A = vector.shape_cast %rsqrt3A : vector<2000xf32> to vector<2000x1xf32>
    %mul3A = vector.broadcast %broadcast_in_dim3A : vector<2000x1xf32> to vector<2000x128xf32>
    %mul3A_8 = arith.mulf %get3A_7, %mul3A : vector<2000x128xf32>
    %swap3A = arith.constant 0 : index
    %swap3A_9 = arith.constant 0 : index
    %swap3A_10 = vector.load %arg3[%swap3A, %swap3A_9] : memref<2000x128xf32, #tpu.memory_space<vmem>>, vector<2000x128xf32>
    tpu.vector_store %arg3[%swap3A, %swap3A_9], %mul3A_8 {strides = array<i32>} : memref<2000x128xf32, #tpu.memory_space<vmem>>, vector<2000x128xf32>,
    return
  }
  func.func @transform_0(%arg0: i32) -> (i32, i32) {
    %c0_i32 = arith.constant 0 : i32
    %c0_i32_0 = arith.constant 0 : i32
    return %arg0, %c0_i32 : i32, i32
  }
  func.func @transform_1(%arg0: i32) -> (i32, i32) {
    %c0_i32 = arith.constant 0 : i32
    %c0_i32_0 = arith.constant 0 : i32
    return %arg0, %c0_i32 : i32, i32
  }
  func.func @transform_2(%arg0: i32) -> (i32, i32) {
    %c0_i32 = arith.constant 0 : i32
    %c0_i32_0 = arith.constant 0 : i32
    return %arg0, %c0_i32 : i32, i32
  }
}

module attributes {stable_mosaic.version = 14 : i64} {
  func.func @_tc2_body(%arg0: i32, %arg1: memref<2000x32xf32, #tpu.memory_space<vmem>>, %arg2: memref<2x2000x128xf32, #tpu.memory_space<vmem>>, %arg3: memref<2000x128xf32, #tpu.memory_space<vmem>>, %arg4: memref<1x128xf32, #tpu.memory_space<vmem>>, %arg5: memref<128x64xf32, #tpu.memory_space<vmem>>, %arg6: memref<1000x128xf32, #tpu.memory_space<vmem>>) attributes {dimension_semantics = [#tpu.dimension_semantics<arbitrary>], iteration_bounds = array<i64: 5>, scalar_prefetch = 0 : i64, scratch_operands = 0 : i64, tpu.core_type = #tpu.core_type<tc>, window_params = [{transform_indices = @transform_0, window_bounds = array<i64: 2000, 32>}, {transform_indices = @transform_1, window_bounds = array<i64: 2, 2000, 128>}, {transform_indices = @transform_2, window_bounds = array<i64: 2000, 128>}, {pipeline_mode = #tpu.pipeline_mode<synchronous>, transform_indices = @transform_3, window_bounds = array<i64: 1, 128>}, {pipeline_mode = #tpu.pipeline_mode<synchronous>, transform_indices = @transform_4, window_bounds = array<i64: 128, 64>}, {transform_indices = @transform_5, window_bounds = array<i64: 1000, 128>}]} {
    %get3A = arith.constant 0 : index
    %get3A_0 = arith.constant 0 : index
    %get3A_1 = vector.load %arg1[%get3A, %get3A_0] : memref<2000x32xf32, #tpu.memory_space<vmem>>, vector<2000x32xf32>
    %reduce_sum3A = arith.constant dense<0.000000e+00> : vector<2000xf32>
    %reduce_sum3A_2 = vector.multi_reduction <add>, %get3A_1, %reduce_sum3A [1] : vector<2000x32xf32> to vector<2000xf32>
    %add3A = arith.constant 1.000000e+00 : f32
    %add3A_3 = vector.broadcast %add3A : f32 to vector<2000xf32>
    %add3A_4 = arith.addf %add3A_3, %reduce_sum3A_2 : vector<2000xf32>
    %rsqrt3A = math.rsqrt %add3A_4 : vector<2000xf32>
    %get3A_5 = arith.constant 0 : index
    %get3A_6 = arith.constant 0 : index
    %get3A_7 = arith.constant 0 : index
    %get3A_8 = vector.load %arg2[%get3A_5, %get3A_6, %get3A_7] : memref<2x2000x128xf32, #tpu.memory_space<vmem>>, vector<1x2000x128xf32>
    %get3A_9 = vector.shape_cast %get3A_8 : vector<1x2000x128xf32> to vector<2000x128xf32>
    %get3A_10 = arith.constant 1 : index
    %get3A_11 = arith.constant 0 : index
    %get3A_12 = arith.constant 0 : index
    %get3A_13 = vector.load %arg2[%get3A_10, %get3A_11, %get3A_12] : memref<2x2000x128xf32, #tpu.memory_space<vmem>>, vector<1x2000x128xf32>
    %get3A_14 = vector.shape_cast %get3A_13 : vector<1x2000x128xf32> to vector<2000x128xf32>
    %add3A_15 = arith.addf %get3A_9, %get3A_14 : vector<2000x128xf32>
    %broadcast_in_dim3A = vector.shape_cast %rsqrt3A : vector<2000xf32> to vector<2000x1xf32>
    %get3A_16 = arith.constant 0 : index
    %get3A_17 = arith.constant 0 : index
    %get3A_18 = vector.load %arg3[%get3A_16, %get3A_17] : memref<2000x128xf32, #tpu.memory_space<vmem>>, vector<2000x128xf32>
    %add3A_19 = arith.addf %add3A_15, %get3A_18 : vector<2000x128xf32>
    %mul3A = vector.broadcast %broadcast_in_dim3A : vector<2000x1xf32> to vector<2000x128xf32>
    %mul3A_20 = arith.mulf %mul3A, %add3A_19 : vector<2000x128xf32>
    %get3A_21 = arith.constant 0 : index
    %get3A_22 = arith.constant 0 : index
    %get3A_23 = vector.load %arg4[%get3A_21, %get3A_22] : memref<1x128xf32, #tpu.memory_space<vmem>>, vector<1x128xf32>
    %add3A_24 = vector.broadcast %get3A_23 : vector<1x128xf32> to vector<2000x128xf32>
    %add3A_25 = arith.addf %mul3A_20, %add3A_24 : vector<2000x128xf32>
    %max3A = arith.constant 0.000000e+00 : f32
    %max3A_26 = vector.broadcast %max3A : f32 to vector<2000x128xf32>
    %max3A_27 = arith.maximumf %add3A_25, %max3A_26 : vector<2000x128xf32>
    %get3A_28 = arith.constant 0 : index
    %get3A_29 = arith.constant 0 : index
    %get3A_30 = vector.load %arg5[%get3A_28, %get3A_29] : memref<128x64xf32, #tpu.memory_space<vmem>>, vector<128x64xf32>
    %dot_general3A = arith.constant dense<0.000000e+00> : vector<2000x64xf32>
    %dot_general3A_31 = tpu.matmul %max3A_27, %get3A_30, %dot_general3A {dimension_numbers = #tpu.dot_dimension_numbers<[1], [0], [0], [1], [0, 0, 1, 1], [], []>, transpose_lhs_hint = false} : vector<2000x128xf32>, vector<128x64xf32>, vector<2000x64xf32> -> vector<2000x64xf32>
    %broadcast_in_dim3A_32 = vector.shape_cast %rsqrt3A : vector<2000xf32> to vector<2000x1xf32>
    %mul3A_33 = vector.broadcast %broadcast_in_dim3A_32 : vector<2000x1xf32> to vector<2000x64xf32>
    %mul3A_34 = arith.mulf %dot_general3A_31, %mul3A_33 : vector<2000x64xf32>
    %reshape3A = vector.shape_cast %mul3A_34 : vector<2000x64xf32> to vector<1000x2x64xf32>
    %slice3A = vector.extract_strided_slice %reshape3A {offsets = [0, 0, 0], sizes = [1000, 1, 64], strides = [1, 1, 1]} : vector<1000x2x64xf32> to vector<1000x1x64xf32>
    %squeeze3A = vector.shape_cast %slice3A : vector<1000x1x64xf32> to vector<1000x64xf32>
    %slice3A_35 = vector.extract_strided_slice %reshape3A {offsets = [0, 1, 0], sizes = [1000, 1, 64], strides = [1, 1, 1]} : vector<1000x2x64xf32> to vector<1000x1x64xf32>
    %squeeze3A_36 = vector.shape_cast %slice3A_35 : vector<1000x1x64xf32> to vector<1000x64xf32>
    %concatenate3A = tpu.concatenate %squeeze3A, %squeeze3A_36 in 1 : vector<1000x64xf32>, vector<1000x64xf32> -> vector<1000x128xf32>
    %swap3A = arith.constant 0 : index
    %swap3A_37 = arith.constant 0 : index
    %swap3A_38 = vector.load %arg6[%swap3A, %swap3A_37] : memref<1000x128xf32, #tpu.memory_space<vmem>>, vector<1000x128xf32>
    tpu.vector_store %arg6[%swap3A, %swap3A_37], %concatenate3A {strides = array<i32>} : memref<1000x128xf32, #tpu.memory_space<vmem>>, vector<1000x128xf32>,
    return
  }
  func.func @transform_0(%arg0: i32) -> (i32, i32) {
    %c0_i32 = arith.constant 0 : i32
    %c0_i32_0 = arith.constant 0 : i32
    return %arg0, %c0_i32 : i32, i32
  }
  func.func @transform_1(%arg0: i32) -> (i32, i32, i32) {
    %c0_i32 = arith.constant 0 : i32
    %c0_i32_0 = arith.constant 0 : i32
    %c0_i32_1 = arith.constant 0 : i32
    return %c0_i32, %arg0, %c0_i32_0 : i32, i32, i32
  }
  func.func @transform_2(%arg0: i32) -> (i32, i32) {
    %c0_i32 = arith.constant 0 : i32
    %c0_i32_0 = arith.constant 0 : i32
    return %arg0, %c0_i32 : i32, i32
  }
  func.func @transform_3(%arg0: i32) -> (i32, i32) {
    %c0_i32 = arith.constant 0 : i32
    %c0_i32_0 = arith.constant 0 : i32
    %c0_i32_1 = arith.constant 0 : i32
    return %c0_i32, %c0_i32_0 : i32, i32
  }
  func.func @transform_4(%arg0: i32) -> (i32, i32) {
    %c0_i32 = arith.constant 0 : i32
    %c0_i32_0 = arith.constant 0 : i32
    %c0_i32_1 = arith.constant 0 : i32
    return %c0_i32, %c0_i32_0 : i32, i32
  }
  func.func @transform_5(%arg0: i32) -> (i32, i32) {
    %c0_i32 = arith.constant 0 : i32
    %c0_i32_0 = arith.constant 0 : i32
    return %arg0, %c0_i32 : i32, i32
  }
}

module attributes {stable_mosaic.version = 14 : i64} {
  func.func @_tc3_body(%arg0: i32, %arg1: memref<1000x64xf32, #tpu.memory_space<vmem>>, %arg2: memref<2x1000x128xf32, #tpu.memory_space<vmem>>, %arg3: memref<1000x128xf32, #tpu.memory_space<vmem>>, %arg4: memref<1x128xf32, #tpu.memory_space<vmem>>, %arg5: memref<2000x64xf32, #tpu.memory_space<vmem>>) attributes {dimension_semantics = [#tpu.dimension_semantics<arbitrary>], iteration_bounds = array<i64: 5>, scalar_prefetch = 0 : i64, scratch_operands = 0 : i64, tpu.core_type = #tpu.core_type<tc>, window_params = [{transform_indices = @transform_0, window_bounds = array<i64: 1000, 64>}, {transform_indices = @transform_1, window_bounds = array<i64: 2, 1000, 128>}, {transform_indices = @transform_2, window_bounds = array<i64: 1000, 128>}, {pipeline_mode = #tpu.pipeline_mode<synchronous>, transform_indices = @transform_3, window_bounds = array<i64: 1, 128>}, {transform_indices = @transform_4, window_bounds = array<i64: 2000, 64>}]} {
    %get3A = arith.constant 0 : index
    %get3A_0 = arith.constant 0 : index
    %get3A_1 = vector.load %arg1[%get3A, %get3A_0] : memref<1000x64xf32, #tpu.memory_space<vmem>>, vector<1000x64xf32>
    %slice3A = vector.extract_strided_slice %get3A_1 {offsets = [0, 0], sizes = [1000, 32], strides = [1, 1]} : vector<1000x64xf32> to vector<1000x32xf32>
    %reduce_sum3A = arith.constant dense<0.000000e+00> : vector<1000xf32>
    %reduce_sum3A_2 = vector.multi_reduction <add>, %slice3A, %reduce_sum3A [1] : vector<1000x32xf32> to vector<1000xf32>
    %add3A = arith.constant 1.000000e+00 : f32
    %add3A_3 = vector.broadcast %add3A : f32 to vector<1000xf32>
    %add3A_4 = arith.addf %add3A_3, %reduce_sum3A_2 : vector<1000xf32>
    %rsqrt3A = math.rsqrt %add3A_4 : vector<1000xf32>
    %broadcast_in_dim3A = vector.shape_cast %rsqrt3A : vector<1000xf32> to vector<1000x1xf32>
    %slice3A_5 = vector.extract_strided_slice %get3A_1 {offsets = [0, 32], sizes = [1000, 32], strides = [1, 1]} : vector<1000x64xf32> to vector<1000x32xf32>
    %reduce_sum3A_6 = arith.constant dense<0.000000e+00> : vector<1000xf32>
    %reduce_sum3A_7 = vector.multi_reduction <add>, %slice3A_5, %reduce_sum3A_6 [1] : vector<1000x32xf32> to vector<1000xf32>
    %add3A_8 = arith.constant 1.000000e+00 : f32
    %add3A_9 = vector.broadcast %add3A_8 : f32 to vector<1000xf32>
    %add3A_10 = arith.addf %add3A_9, %reduce_sum3A_7 : vector<1000xf32>
    %rsqrt3A_11 = math.rsqrt %add3A_10 : vector<1000xf32>
    %broadcast_in_dim3A_12 = vector.shape_cast %rsqrt3A_11 : vector<1000xf32> to vector<1000x1xf32>
    %broadcast_in_dim3A_13 = vector.shape_cast %broadcast_in_dim3A : vector<1000x1xf32> to vector<1000x1xf32>
    %broadcast_in_dim3A_14 = vector.broadcast %broadcast_in_dim3A_13 : vector<1000x1xf32> to vector<1000x64xf32>
    %broadcast_in_dim3A_15 = vector.shape_cast %broadcast_in_dim3A_12 : vector<1000x1xf32> to vector<1000x1xf32>
    %broadcast_in_dim3A_16 = vector.broadcast %broadcast_in_dim3A_15 : vector<1000x1xf32> to vector<1000x64xf32>
    %concatenate3A = tpu.concatenate %broadcast_in_dim3A_14, %broadcast_in_dim3A_16 in 1 : vector<1000x64xf32>, vector<1000x64xf32> -> vector<1000x128xf32>
    %get3A_17 = arith.constant 0 : index
    %get3A_18 = arith.constant 0 : index
    %get3A_19 = arith.constant 0 : index
    %get3A_20 = vector.load %arg2[%get3A_17, %get3A_18, %get3A_19] : memref<2x1000x128xf32, #tpu.memory_space<vmem>>, vector<2x1000x128xf32>
    %slice3A_21 = vector.extract_strided_slice %get3A_20 {offsets = [0, 0, 0], sizes = [1, 1000, 128], strides = [1, 1, 1]} : vector<2x1000x128xf32> to vector<1x1000x128xf32>
    %squeeze3A = vector.shape_cast %slice3A_21 : vector<1x1000x128xf32> to vector<1000x128xf32>
    %slice3A_22 = vector.extract_strided_slice %get3A_20 {offsets = [1, 0, 0], sizes = [1, 1000, 128], strides = [1, 1, 1]} : vector<2x1000x128xf32> to vector<1x1000x128xf32>
    %squeeze3A_23 = vector.shape_cast %slice3A_22 : vector<1x1000x128xf32> to vector<1000x128xf32>
    %add3A_24 = arith.addf %squeeze3A, %squeeze3A_23 : vector<1000x128xf32>
    %get3A_25 = arith.constant 0 : index
    %get3A_26 = arith.constant 0 : index
    %get3A_27 = vector.load %arg3[%get3A_25, %get3A_26] : memref<1000x128xf32, #tpu.memory_space<vmem>>, vector<1000x128xf32>
    %add3A_28 = arith.addf %add3A_24, %get3A_27 : vector<1000x128xf32>
    %mul3A = arith.mulf %concatenate3A, %add3A_28 : vector<1000x128xf32>
    %get3A_29 = arith.constant 0 : index
    %get3A_30 = arith.constant 0 : index
    %get3A_31 = vector.load %arg4[%get3A_29, %get3A_30] : memref<1x128xf32, #tpu.memory_space<vmem>>, vector<1x128xf32>
    %add3A_32 = vector.broadcast %get3A_31 : vector<1x128xf32> to vector<1000x128xf32>
    %add3A_33 = arith.addf %mul3A, %add3A_32 : vector<1000x128xf32>
    %exp3A = math.exp %add3A_33 : vector<1000x128xf32>
    %iota3A = tpu.iota {dimensions = array<i32: 0>} : vector<128x128xi32>
    %jit3A = arith.constant 64 : i32
    %div3A = vector.broadcast %jit3A : i32 to vector<128x128xi32>
    %div3A_34 = arith.divsi %iota3A, %div3A : vector<128x128xi32>
    %sign3A = arith.constant 0 : i32
    %sign3A_35 = vector.broadcast %sign3A : i32 to vector<128x128xi32>
    %sign3A_36 = arith.cmpi sgt, %iota3A, %sign3A_35 : vector<128x128xi32>
    %sign3A_37 = arith.extui %sign3A_36 : vector<128x128xi1> to vector<128x128xi32>
    %sign3A_38 = arith.constant 0 : i32
    %sign3A_39 = vector.broadcast %sign3A_38 : i32 to vector<128x128xi32>
    %sign3A_40 = arith.cmpi slt, %iota3A, %sign3A_39 : vector<128x128xi32>
    %sign3A_41 = arith.extui %sign3A_40 : vector<128x128xi1> to vector<128x128xi32>
    %sign3A_42 = arith.subi %sign3A_37, %sign3A_41 : vector<128x128xi32>
    %sign3A_43 = arith.constant 0 : i32
    %sign3A_44 = arith.cmpi sgt, %jit3A, %sign3A_43 : i32
    %sign3A_45 = arith.extui %sign3A_44 : i1 to i32
    %sign3A_46 = arith.constant 0 : i32
    %sign3A_47 = arith.cmpi slt, %jit3A, %sign3A_46 : i32
    %sign3A_48 = arith.extui %sign3A_47 : i1 to i32
    %sign3A_49 = arith.subi %sign3A_45, %sign3A_48 : i32
    %ne3A = vector.broadcast %sign3A_49 : i32 to vector<128x128xi32>
    %ne3A_50 = arith.cmpi ne, %sign3A_42, %ne3A : vector<128x128xi32>
    %rem3A = vector.broadcast %jit3A : i32 to vector<128x128xi32>
    %rem3A_51 = arith.remsi %iota3A, %rem3A : vector<128x128xi32>
    %ne3A_52 = arith.constant 0 : i32
    %ne3A_53 = vector.broadcast %ne3A_52 : i32 to vector<128x128xi32>
    %ne3A_54 = arith.cmpi ne, %rem3A_51, %ne3A_53 : vector<128x128xi32>
    %and3A = arith.andi %ne3A_50, %ne3A_54 : vector<128x128xi1>
    %sub3A = arith.constant 1 : i32
    %sub3A_55 = vector.broadcast %sub3A : i32 to vector<128x128xi32>
    %sub3A_56 = arith.subi %div3A_34, %sub3A_55 : vector<128x128xi32>
    %select_n3A = arith.select %and3A, %sub3A_56, %div3A_34 : vector<128x128xi1>, vector<128x128xi32>
    %iota3A_57 = tpu.iota {dimensions = array<i32: 1>} : vector<128x128xi32>
    %jit3A_58 = arith.constant 64 : i32
    %div3A_59 = vector.broadcast %jit3A_58 : i32 to vector<128x128xi32>
    %div3A_60 = arith.divsi %iota3A_57, %div3A_59 : vector<128x128xi32>
    %sign3A_61 = arith.constant 0 : i32
    %sign3A_62 = vector.broadcast %sign3A_61 : i32 to vector<128x128xi32>
    %sign3A_63 = arith.cmpi sgt, %iota3A_57, %sign3A_62 : vector<128x128xi32>
    %sign3A_64 = arith.extui %sign3A_63 : vector<128x128xi1> to vector<128x128xi32>
    %sign3A_65 = arith.constant 0 : i32
    %sign3A_66 = vector.broadcast %sign3A_65 : i32 to vector<128x128xi32>
    %sign3A_67 = arith.cmpi slt, %iota3A_57, %sign3A_66 : vector<128x128xi32>
    %sign3A_68 = arith.extui %sign3A_67 : vector<128x128xi1> to vector<128x128xi32>
    %sign3A_69 = arith.subi %sign3A_64, %sign3A_68 : vector<128x128xi32>
    %sign3A_70 = arith.constant 0 : i32
    %sign3A_71 = arith.cmpi sgt, %jit3A_58, %sign3A_70 : i32
    %sign3A_72 = arith.extui %sign3A_71 : i1 to i32
    %sign3A_73 = arith.constant 0 : i32
    %sign3A_74 = arith.cmpi slt, %jit3A_58, %sign3A_73 : i32
    %sign3A_75 = arith.extui %sign3A_74 : i1 to i32
    %sign3A_76 = arith.subi %sign3A_72, %sign3A_75 : i32
    %ne3A_77 = vector.broadcast %sign3A_76 : i32 to vector<128x128xi32>
    %ne3A_78 = arith.cmpi ne, %sign3A_69, %ne3A_77 : vector<128x128xi32>
    %rem3A_79 = vector.broadcast %jit3A_58 : i32 to vector<128x128xi32>
    %rem3A_80 = arith.remsi %iota3A_57, %rem3A_79 : vector<128x128xi32>
    %ne3A_81 = arith.constant 0 : i32
    %ne3A_82 = vector.broadcast %ne3A_81 : i32 to vector<128x128xi32>
    %ne3A_83 = arith.cmpi ne, %rem3A_80, %ne3A_82 : vector<128x128xi32>
    %and3A_84 = arith.andi %ne3A_78, %ne3A_83 : vector<128x128xi1>
    %sub3A_85 = arith.constant 1 : i32
    %sub3A_86 = vector.broadcast %sub3A_85 : i32 to vector<128x128xi32>
    %sub3A_87 = arith.subi %div3A_60, %sub3A_86 : vector<128x128xi32>
    %select_n3A_88 = arith.select %and3A_84, %sub3A_87, %div3A_60 : vector<128x128xi1>, vector<128x128xi32>
    %eq3A = arith.cmpi eq, %select_n3A, %select_n3A_88 : vector<128x128xi32>
    %convert_element_type3A = arith.extui %eq3A : vector<128x128xi1> to vector<128x128xi32>
    %convert_element_type3A_89 = arith.sitofp %convert_element_type3A : vector<128x128xi32> to vector<128x128xf32>
    %dot_general3A = arith.constant dense<0.000000e+00> : vector<1000x128xf32>
    %dot_general3A_90 = tpu.matmul %exp3A, %convert_element_type3A_89, %dot_general3A {dimension_numbers = #tpu.dot_dimension_numbers<[1], [0], [0], [1], [0, 0, 1, 1], [], []>, transpose_lhs_hint = false} : vector<1000x128xf32>, vector<128x128xf32>, vector<1000x128xf32> -> vector<1000x128xf32>
    %log3A = math.log %dot_general3A_90 : vector<1000x128xf32>
    %sub3A_91 = arith.subf %add3A_33, %log3A : vector<1000x128xf32>
    %slice3A_92 = vector.extract_strided_slice %sub3A_91 {offsets = [0, 0], sizes = [1000, 64], strides = [1, 1]} : vector<1000x128xf32> to vector<1000x64xf32>
    %broadcast_in_dim3A_93 = vector.shape_cast %slice3A_92 : vector<1000x64xf32> to vector<1000x1x64xf32>
    %slice3A_94 = vector.extract_strided_slice %sub3A_91 {offsets = [0, 64], sizes = [1000, 64], strides = [1, 1]} : vector<1000x128xf32> to vector<1000x64xf32>
    %broadcast_in_dim3A_95 = vector.shape_cast %slice3A_94 : vector<1000x64xf32> to vector<1000x1x64xf32>
    %concatenate3A_96 = tpu.concatenate %broadcast_in_dim3A_93, %broadcast_in_dim3A_95 in 1 : vector<1000x1x64xf32>, vector<1000x1x64xf32> -> vector<1000x2x64xf32>
    %reshape3A = vector.shape_cast %concatenate3A_96 : vector<1000x2x64xf32> to vector<2000x64xf32>
    %swap3A = arith.constant 0 : index
    %swap3A_97 = arith.constant 0 : index
    %swap3A_98 = vector.load %arg5[%swap3A, %swap3A_97] : memref<2000x64xf32, #tpu.memory_space<vmem>>, vector<2000x64xf32>
    tpu.vector_store %arg5[%swap3A, %swap3A_97], %reshape3A {strides = array<i32>} : memref<2000x64xf32, #tpu.memory_space<vmem>>, vector<2000x64xf32>,
    return
  }
  func.func @transform_0(%arg0: i32) -> (i32, i32) {
    %c0_i32 = arith.constant 0 : i32
    %c0_i32_0 = arith.constant 0 : i32
    return %arg0, %c0_i32 : i32, i32
  }
  func.func @transform_1(%arg0: i32) -> (i32, i32, i32) {
    %c0_i32 = arith.constant 0 : i32
    %c0_i32_0 = arith.constant 0 : i32
    %c0_i32_1 = arith.constant 0 : i32
    return %c0_i32, %arg0, %c0_i32_0 : i32, i32, i32
  }
  func.func @transform_2(%arg0: i32) -> (i32, i32) {
    %c0_i32 = arith.constant 0 : i32
    %c0_i32_0 = arith.constant 0 : i32
    return %arg0, %c0_i32 : i32, i32
  }
  func.func @transform_3(%arg0: i32) -> (i32, i32) {
    %c0_i32 = arith.constant 0 : i32
    %c0_i32_0 = arith.constant 0 : i32
    %c0_i32_1 = arith.constant 0 : i32
    return %c0_i32, %c0_i32_0 : i32, i32
  }
  func.func @transform_4(%arg0: i32) -> (i32, i32) {
    %c0_i32 = arith.constant 0 : i32
    %c0_i32_0 = arith.constant 0 : i32
    return %arg0, %c0_i32 : i32, i32
  }
}

</mosaic_0001>

<sc_bundles>
// kernel: kernel.12.cloned.1.call-start
scs
__scs_entry_jumppad:
0x0: {  	(pc) =	sbr.rel $0x88, $3  }
0x1: {  	(tag) =	ssettag $0x0;
	lr =	simm.s32 $0x1  }
0x2: {  	[smem:$0x3F9B] =	sst lr;
	_ =	strace $0xD0000000  }
0x3: {  	_ = 	snop  }
0x4: {  	_ = 	snop  }
0x5: {  	_ = 	snop  }
0x6: {  	_ = 	snop  }
0x7: {  	_ = 	snop  }
__scs_overlays_trampoline_lowered:
0x8: {  	[smem:$0x3FAA] =	sst s0  }
0x9: {  	[smem:$0x3FAB] =	sst s1  }
0xa: {  	[smem:$0x3FAC] =	sst s2  }
0xb: {  	[smem:$0x3FAD] =	sst s3  }
0xc: {  	[smem:$0x3FAE] =	sst s4  }
0xd: {  	[smem:$0x3FAF] =	sst s5  }
0xe: {  	[smem:$0x3FB0] =	sst s6  }
0xf: {  	[smem:$0x3FB1] =	sst s7  }
0x10: {  	[smem:$0x3FB2] =	sst s8  }
0x11: {  	[smem:$0x3FB3] =	sst s9;
	s0 =	simm.s32 @!p0 $0x0  }
0x12: {  	s1 =	sld [smem:$0x3F99];
	s0 =	simm.s32 @p0 $0x1  }
0x13: {  	[smem:$0x3FB4] =	sst s0;
	s0 =	simm.s32 @!p1 $0x0  }
0x14: {  	s2 =	sld [smem:$0x3F98];
	s0 =	simm.s32 @p1 $0x1  }
0x15: {  	[smem:$0x3FB5] =	sst s0;
	s0 =	simm.s32 @!p2 $0x0  }
0x16: {  	s3 =	sld [smem:$0x3FDB];
	s0 =	simm.s32 @p2 $0x1  }
0x17: {  	s4 =	simm.s32 $0x1BF5;
	[smem:$0x3FB7] =	sst s0  }
0x18: {  	s0 =	sld [smem:$0x3F9A];
	_ =	swait.ge [sflag:s4], $0x0  }
0x19: {  	s7 =	sld [smem:$0x3F9B]  }
0x1a: {  	s8 =	sadd.s32 $0xFFFFE003, lr  }
0x1b: {  	s9 =	sadd.s32 $0xFFFFFEF7, lr;
	s5 =	simm.s32 $0xFFFFFFFF;
	p2 =	slt.u32 s8, $0xFFFFF086  }
0x1c: {  	p1 =	slt.u32 s9, $0xF7A;
	s5 =	simm.s32 @!p2 $0x0  }
0x1d: {  	s5 =	simm.s32 @p1 $0x1;
	p0 =	seq.s32 s7, s2  }
0x1e: {  	s7 =	smul.u32 @!p0 $0xF7A, s2;
	p2 =	seq.s32 @!p0 s5, $0x0  }
0x1f: {  	s9 =	smul.u32 $0xF7A, s1;
	s8 =	simm.s32 @!p0 $0x1BF5;
	p2 =	por !p2, p0  }
0x20: {  	[sflag:s8] =	ssyncset.s32 @!p0 $0xFFFFF086;
	s6 =	sadd.s32 @!p0 s3, s7;
	s7 =	simm.s32 @!p0 $0x108  }
0x21: {  	s3 =	sadd.s32 s3, s9;
	s6 =	sadd.s32 @!p0 $0x88, s6;
	s7 =	simm.s32 @p2 $0x1082  }
0x22: {  	[simem:s7], [sflag:s8] =	dma.local @!p0 [hbm:s6], $0xF7A  }
0x23: {  	s9 =	sor.u32 $0xD0000000, s2;
	s6 =	simm.s32 $0x108;
	_ =	swait.ge @!p0 [sflag:s8], $0x0  }
0x24: {  	s3 =	sadd.s32 $0x88, s3;
	s6 =	simm.s32 @!p1 $0x1082;
	[sflag:s4] =	ssyncset.s32 $0xFFFFF086  }
0x25: {  	[simem:s6], [sflag:s4] =	dma.local [hbm:s3], $0xF7A  }
0x26: {  	[smem:$0x3F9B] =	sst s1;
	(tag) =	ssettag s2;
	_ =	strace s9  }
0x27: {  	s1 =	sld [smem:$0x3FAB]  }
0x28: {  	s2 =	sld [smem:$0x3FAC]  }
0x29: {  	s4 =	sld [smem:$0x3FAE]  }
0x2a: {  	p0 =	seq.s32 s5, $0x0;
	s5 =	sld [smem:$0x3FAF]  }
0x2b: {  	s6 =	sld [smem:$0x3FB0]  }
0x2c: {  	s7 =	sld [smem:$0x3FB1]  }
0x2d: {  	s3 =	simm.s32 $0x108;
	s8 =	sld [smem:$0x3FB2]  }
0x2e: {  	s3 =	simm.s32 @!p0 $0x1082;
	s9 =	sld [smem:$0x3FB3]  }
0x2f: {  	lr =	sadd.s32 s0, s3;
	s0 =	sld [smem:$0x3FAA]  }
0x30: {  	s3 =	sld [smem:$0x3FAD]  }
0x31: {  	[smem:$0x3FB6] =	sst s10  }
0x32: {  	s10 =	sld [smem:$0x3FB4];
	_ =	sdelay $0x3  }
0x33: {  	p0 =	seq.s32 s10, $0x1;
	s10 =	sld [smem:$0x3FB6];
	_ =	sdelay $0x3  }
0x34: {  	[smem:$0x3FB6] =	sst s10  }
0x35: {  	s10 =	sld [smem:$0x3FB5];
	_ =	sdelay $0x3  }
0x36: {  	p1 =	seq.s32 s10, $0x1;
	s10 =	sld [smem:$0x3FB6];
	_ =	sdelay $0x3  }
0x37: {  	[smem:$0x3FB6] =	sst s10  }
0x38: {  	s10 =	sld [smem:$0x3FB7]  }
0x39: {  	_ = 	snop;
	(pc) =	sbr.ind lr, $3  }
0x3a: {  	_ = 	snop  }
0x3b: {  	_ = 	snop  }
0x3c: {  	p2 =	seq.s32 s10, $0x1;
	s10 =	sld [smem:$0x3FB6]  }
0x3d: {  	_ =	shalt  }
0x3e: {  	_ =	shalt  }
0x3f: {  	_ =	shalt  }
0x40: {  	_ =	shalt  }
0x41: {  	_ =	shalt  }
0x42: {  	_ =	shalt  }
0x43: {  	_ =	shalt  }
0x44: {  	_ =	shalt  }
0x45: {  	_ =	shalt  }
0x46: {  	_ =	shalt  }
0x47: {  	_ =	shalt  }
0x48: {  	_ =	shalt  }
0x49: {  	_ =	shalt  }
0x4a: {  	_ =	shalt  }
0x4b: {  	_ =	shalt  }
0x4c: {  	_ =	shalt  }
0x4d: {  	_ =	shalt  }
0x4e: {  	_ =	shalt  }
0x4f: {  	_ =	shalt  }
0x50: {  	_ =	shalt  }
0x51: {  	_ =	shalt  }
0x52: {  	_ =	shalt  }
0x53: {  	_ =	shalt  }
0x54: {  	_ =	shalt  }
0x55: {  	_ =	shalt  }
0x56: {  	_ =	shalt  }
0x57: {  	_ =	shalt  }
0x58: {  	_ =	shalt  }
0x59: {  	_ =	shalt  }
0x5a: {  	_ =	shalt  }
0x5b: {  	_ =	shalt  }
0x5c: {  	_ =	shalt  }
0x5d: {  	_ =	shalt  }
0x5e: {  	_ =	shalt  }
0x5f: {  	_ =	shalt  }
0x60: {  	_ =	shalt  }
0x61: {  	_ =	shalt  }
0x62: {  	_ =	shalt  }
0x63: {  	_ =	shalt  }
0x64: {  	_ =	shalt  }
0x65: {  	_ =	shalt  }
0x66: {  	_ =	shalt  }
0x67: {  	_ =	shalt  }
0x68: {  	_ =	shalt  }
0x69: {  	_ =	shalt  }
0x6a: {  	_ =	shalt  }
0x6b: {  	_ =	shalt  }
0x6c: {  	_ =	shalt  }
0x6d: {  	_ =	shalt  }
0x6e: {  	_ =	shalt  }
0x6f: {  	_ =	shalt  }
0x70: {  	_ =	shalt  }
0x71: {  	_ =	shalt  }
0x72: {  	_ =	shalt  }
0x73: {  	_ =	shalt  }
0x74: {  	_ =	shalt  }
0x75: {  	_ =	shalt  }
0x76: {  	_ =	shalt  }
0x77: {  	_ =	shalt  }
0x78: {  	_ =	shalt  }
0x79: {  	_ =	shalt  }
0x7a: {  	_ =	shalt  }
0x7b: {  	_ =	shalt  }
0x7c: {  	_ =	shalt  }
0x7d: {  	_ =	shalt  }
0x7e: {  	_ =	shalt  }
0x7f: {  	_ =	shalt  }
0x80: {  	_ =	shalt  }
0x81: {  	_ =	shalt  }
0x82: {  	_ =	shalt  }
0x83: {  	_ =	shalt  }
0x84: {  	_ =	shalt  }
0x85: {  	_ =	shalt  }
0x86: {  	_ =	shalt  }
0x87: {  	_ =	shalt  }
.Lfunc_end0:
.L_simem_size_0:
called_computation.1_lowered:
.L_overlay_start_0:
0x88: {  	s2 =	sld [smem:$0x3FD9]  }
0x89: {  	s3 =	sld [smem:$0x3FFE];
	_ =	sdelay $0x1  }
0x8a: {  	s1 =	srdreg.scid  }
0x8b: {  	s0 =	sand.u32 $0x1, s1  }
0x8c: {  	s17 =	sshll.u32 s0, $0xA;
	s2 =	sadd.s32 s3, s2  }
0x8d: {  	s2 =	sadd.s32 s2, s17  }
0x8e: {  	[smem:$0x3FC2] =	sst s2  }
0x8f: {  	_ = 	snop  }
0x90: {  	s2 =	sld [smem:$0x3FD0];
	(tm) =	ssettm $0x1  }
0x91: {  	s18 =	sld [smem:$0x3FFB];
	_ =	sdelay $0x3  }
0x92: {  	_ =	strace s18  }
0x93: {  	s3 =	sld [smem:$0x3FFC];
	_ =	sdelay $0x3  }
0x94: {  	_ =	strace s3  }
0x95: {  	s3 =	sld [smem:$0x3FFD];
	_ =	sdelay $0x3  }
0x96: {  	_ =	strace s3  }
0x97: {  	_ =	strace $0x8FFFFFFF  }
0x98: {  	s19 =	sld [smem:$0x3FDB];
	_ =	sdelay $0x1  }
0x99: {  	s4 =	simm.s32 $_scs_section_size  }
0x9a: {  	s5 =	simm.s32 $_size__tile_overlayer_lowered;
	s6 =	simm.s32 $_tile_overlayer_lowered  }
0x9b: {  	s22 =	simm.s32 $0x1BFF;
	s21 =	sshll.u32 s6, $0x1;
	s3 =	sadd.s32 s4, s19  }
0x9c: {  	s7 =	simm.s32 $0x0;
	s20 =	sshll.u32 s5, $0x1;
	s5 =	sadd.s32 s21, s3  }
0x9d: {  	[timem:s7], [sflag:s22] =	dma.local [hbm:s5], s20  }
0x9e: {  	_ =	swait.ge [sflag:s22], s20  }
0x9f: {  	s4 =	ssub.s32 $0x0, s20;
	[sflag:s22] =	ssyncset.done $0x0  }
0xa0: {  	[sflag:s22] =	ssyncadd.s32 s4;
	_ =	sdelay $0x1  }
0xa1: {  	s23 =	simm.s32 $0x1B8B  }
0xa2: {  	_ =	swait.ge [sflag:s23], $0x1  }
0xa3: {  	[sflag:s23] =	ssyncset.done $0x0  }
0xa4: {  	s25 =	simm.s32 $0x1B8E;
	s24 =	sld [smem:$0x3FFE];
	[sflag:s23] =	ssyncadd.s32 $0xFFFFFFFF  }
0xa5: {  	s26 =	simm.s32 $execute0_lowered;
	[smem:$0x3FD2] =	sst s25  }
0xa6: {  	s5 =	sshll.u32 s26, $0x1;
	_ =	strace $0x80000049;
	[dreg:$0x1] =	wrdreg $0xFFFFFFFF  }
0xa7: {  	s28 =	simm.s32 $_size_execute0_lowered;
	s3 =	sadd.s32 s3, s5;
	[dreg:$0x0] =	wrdreg $0x0  }
0xa8: {  	s5 =	sshll.u32 s28, $0x1;
	[dreg:$0x2] =	wrdreg s3  }
0xa9: {  	[dreg:$0x3] =	wrdreg s5  }
0xaa: {  	[dreg:$0x4] =	wrdreg $0xC0  }
0xab: {  	_ =	task [dreg:s7], $0x5FFFF  }
0xac: {  	[dreg:$0x1] =	wrdreg $0xFFFFFFFF  }
0xad: {  	[dreg:$0x0] =	wrdreg $0x60  }
0xae: {  	[dreg:$0x2] =	wrdreg s24  }
0xaf: {  	[dreg:$0x3] =	wrdreg s2  }
0xb0: {  	[dreg:$0x4] =	wrdreg $0x9E200  }
0xb1: {  	[dreg:$0x5] =	wrdreg $0x9  }
0xb2: {  	_ =	task.clear_ibuf [dreg:s7], $0x6FFFF;
	_ =	strace $0x90000049  }
0xb3: {  	s29 =	simm.s32 $0x9;
	_ =	strace $0x8000004B  }
0xb4: {  	_ =	swait.ge [sflag:s29], $0x1  }
0xb5: {  	[sflag:s29] =	ssyncadd.s32 $0xFFFFFFFF  }
0xb6: {  	_ =	strace $0x9000004B  }
0xb7: {  	_ =	sfence  }
0xb8: {  	s30 =	sld [smem:$0x0];
	_ =	sdelay $0x2  }
0xb9: {  	s31 =	sshll.u32 s1, $0xD;
	s1 =	sshrl.u32 s1, $0x2  }
0xba: {  	s3 =	sand.u32 $0x4000, s31;
	s1 =	sadd.s32 s1, s30  }
0xbb: {  	s0 =	sor.u32 s3, s0;
	s1 =	sshll.u32 s1, $0x11  }
0xbc: {  	s0 =	sor.u32 s1, s0  }
0xbd: {  	s0 =	sadd.s32 $0x8F2B, s0  }
0xbe: {  	[sflag:s0] =	ssyncadd.remote.s32 $0x1  }
0xbf: {  	_ =	sfence.sel $0xFFFF  }
0xc0: {  	[dreg:$0x0] =	wrdreg $0xFFFFFFFF;
	(pc) =	sbr.abs _section_cstart, $3  }
0xc1: {  	[dreg:$0x1] =	wrdreg $0xFFFFFFFF  }
0xc2: {  	_ =	task.clear_ibuf [dreg:s7], $0x2FFFF;
	_ =	strace $0x9FFFFFFF  }
0xc3: {  	(tm) =	ssettm $0x7FFFFFFF  }
tec
execute0_lowered:
.L_overlay_start_1:
0x0: {  	(tag) =	ssettag $0x1  }
0x1: {  	s5 =	rddreg [dreg:$0x0]  }
0x2: {  	s16 =	rddreg [dreg:$0x1]  }
0x3: {  	s2 =	rddreg [dreg:$0x2];
	s4 =	srdreg.scid  }
0x4: {  	s1 =	stileid.u32;
	s3 =	simm.s32 $0x0;
	s18 =	simm.s32 $0x50  }
0x5: {  	s19 =	simm.s32 $0x7620;
	s20 =	simm.s32 $0x4E20;
	s21 =	simm.s32 $0x4  }
0x6: {  	s22 =	simm.s32 $0x2;
	s23 =	simm.s32 $0x3;
	s7 =	smul.u32 $0x14000, s1  }
0x7: {  	s24 =	simm.s32 $0x1;
	s25 =	simm.s32 $0x4DD0;
	s12 =	smul.u32 $0x50000, s1  }
0x8: {  	s26 =	simm.s32 $0x0;
	s6 =	sand.u32 $0x1, s4;
	s31 =	smul.u32 $0x2710, s1  }
0x9: {  	[smem:$0x7FF] =	sst s3;
	s4 =	smul.u32 $0x140000, s6;
	s8 =	sshll.u32 s6, $0x4  }
0xa: {  	_ =	strace $0x8000004A;
	s9 =	ssub.s32 $0x2, s6;
	s30 =	smul.u32 $0x27100, s6  }
0xb: {  	s8 =	sor.u32 s1, s8;
	s11 =	sshrl.u32 s9, $0x1;
	s29 =	sshrl.u32 s12, $0x2  }
0xc: {  	s6 =	sadd.s32 s7, s2;
	s4 =	sadd.s32 s7, s4;
	s8 =	smul.u32 $0x2710, s8  }
0xd: {  	s15 =	ssub.s32 s9, s11;
	s13 =	sadd.s32 s29, s2;
	s17 =	sadd.s32 s31, s30  }
0xe: {  	s10 =	sshrl.u32 s4, $0x3;
	s4 =	sadd.s32 $0x2600, s5;
	s7 =	sadd.s32 $0x2800, s13  }
0xf: {  	s9 =	sadd.s32 $0x7800, s13;
	s11 =	sadd.s32 $0xC800, s13;
	s12 =	sadd.s32 $0xF000, s13  }
0x10: {  	s17 =	sadd.s32 $0x4E200, s17;
	s15 =	smax.u32 s15, $0x1;
	s14 =	sadd.s32 s10, s5  }
0x11: {  	s28 =	sshrl.u32 s8, $0x3;
	s8 =	sadd.s32 $0x5000, s13;
	s10 =	sadd.s32 $0xA000, s13  }
0x12: {  	s13 =	sadd.s32 $0x11800, s13;
	s17 =	sshrl.u32 s17, $0x3;
	s5 =	sadd.s32 s16, s28  }
0x13: {  	v0 =	vimm.f32 $0.0e+00;
	s14 =	sadd.s32 $0x29800, s14;
	s16 =	sadd.s32 s17, s16;
	s17 =	simm.s32 $0x5  }
.LBB2_1:
0x14: {  	s28 =	simm.s32 $0x2710  }
0x15: {  	s29 =	simm.s32 $0xA;
	s31 =	sadd.s32 $0x0, s16;
	s30 =	simm.s32 $0x2760  }
.LBB2_2:
0x16: {  	[tilespmem:s28], [sflag:$0x4] =	stream.linear.gather [hbm4b:s31+s3], $0x50, $0x38;
	[tilespmem:$0x1DE20] =	vst v63  }
0x17: {  	s31 =	smov.u32 s29;
	s28 =	smov.u32 s30;
	p0 =	sne.s32 s29, $0x4D8  }
.Ltmp0:
0x18: {  	s29 =	sadd.s32 $0xA, s29;
	(pc) =	sbr.rel @p0 .LBB2_2-.Ltmp0, $2  }
0x19: {  	_ =	sdelay $0x2  }
0x1a: {  	s30 =	sadd.s32 $0x50, s30;
	s31 =	sadd.s32 s31, s16  }
0x1b: {  	[tilespmem:s28], [sflag:$0x4] =	stream.linear.gather [hbm4b:s31+s3], $0x50, $0x38;
	[tilespmem:$0x1DE20] =	vst v63  }
0x1c: {  	s28 =	simm.s32 $0x0  }
0x1d: {  	[tilespmem:s28], [sflag:$0x5] =	stream.linear.gather [hbm4b:s5+s28], $0x2710, $0x38;
	[tilespmem:$0x1DE20] =	vst v63  }
0x1e: {  	s29 =	sand.u32 $0xFE00, s28;
	_ =	swait.ge [sflag:s17], $0x2710  }
0x1f: {  	s30 =	sand.u32 $0x70, s28;
	s0 =	sshrl.u32 s29, $0x2;
	[sflag:s17] =	ssyncset.done $0x0  }
0x20: {  	s29 =	simm.s32 $0x40;
	s30 =	sor.u32 s30, s0;
	[sflag:s17] =	ssyncadd.s32 $0xFFFFD8F0  }
0x21: {  	[tilespmem:s19], [sflag:$0x2] =	stream.indirect.gather [hbm4b:s4+s18], $0x80, s28, s18, $0xb8;
	[tilespmem:$0x1DE20] =	vst v63  }
.LBB2_4:
0x22: {  	p0 =	sne.s32 s29, $0x9FC0  }
0x23: {  	[tilespmem:s30+$0x4E20] =	vst v0;
	s28 =	sadd.s32 $0x10, s28;
	s30 =	smov.u32 s29;
	s29 =	sadd.s32 $0x40, s29  }
.Ltmp1:
0x24: {  	(pc) =	sbr.rel @p0 .LBB2_4-.Ltmp1, $4  }
0x25: {  	_ = 	snop  }
0x26: {  	s30 =	sand.u32 $0xFE00, s30  }
0x27: {  	s31 =	sand.u32 $0x70, s28;
	s30 =	sshrl.u32 s30, $0x2  }
0x28: {  	s30 =	sor.u32 s31, s30  }
0x29: {  	[tilespmem:s30+$0x4E20] =	vst v0  }
0x2a: {  	[spmem:s6] =	stream.linear.scatter [tilespmem:s20], [sflag:$0x5], $0x2800, $0x38;
	[tilespmem:$0x1DE20] =	vst v63  }
0x2b: {  	_ =	swait.ge [sflag:s17], $0x2800  }
0x2c: {  	[sflag:s17] =	ssyncset.done $0x0  }
0x2d: {  	[sflag:s17] =	ssyncadd.s32 $0xFFFFD800  }
0x2e: {  	[spmem:s7] =	stream.linear.scatter [tilespmem:s20], [sflag:$0x5], $0x2800, $0x38;
	[tilespmem:$0x1DE20] =	vst v63  }
0x2f: {  	_ =	swait.ge [sflag:s17], $0x2800  }
0x30: {  	[sflag:s17] =	ssyncset.done $0x0  }
0x31: {  	[sflag:s17] =	ssyncadd.s32 $0xFFFFD800  }
0x32: {  	[spmem:s8] =	stream.linear.scatter [tilespmem:s20], [sflag:$0x5], $0x2800, $0x38;
	[tilespmem:$0x1DE20] =	vst v63  }
0x33: {  	_ =	swait.ge [sflag:s17], $0x2800  }
0x34: {  	[sflag:s17] =	ssyncset.done $0x0  }
0x35: {  	[sflag:s17] =	ssyncadd.s32 $0xFFFFD800  }
0x36: {  	[spmem:s9] =	stream.linear.scatter [tilespmem:s20], [sflag:$0x5], $0x2800, $0x38;
	[tilespmem:$0x1DE20] =	vst v63  }
0x37: {  	_ =	swait.ge [sflag:s17], $0x2800  }
0x38: {  	[sflag:s17] =	ssyncset.done $0x0  }
0x39: {  	[sflag:s17] =	ssyncadd.s32 $0xFFFFD800  }
0x3a: {  	[spmem:s10] =	stream.linear.scatter [tilespmem:s20], [sflag:$0x5], $0x2800, $0x38;
	[tilespmem:$0x1DE20] =	vst v63  }
0x3b: {  	_ =	swait.ge [sflag:s17], $0x2800  }
0x3c: {  	[sflag:s17] =	ssyncset.done $0x0  }
0x3d: {  	[sflag:s17] =	ssyncadd.s32 $0xFFFFD800  }
0x3e: {  	[spmem:s11] =	stream.linear.scatter [tilespmem:s20], [sflag:$0x5], $0x2800, $0x38;
	[tilespmem:$0x1DE20] =	vst v63  }
0x3f: {  	_ =	swait.ge [sflag:s17], $0x2800  }
0x40: {  	[sflag:s17] =	ssyncset.done $0x0  }
0x41: {  	[sflag:s17] =	ssyncadd.s32 $0xFFFFD800  }
0x42: {  	[spmem:s12] =	stream.linear.scatter [tilespmem:s20], [sflag:$0x5], $0x2800, $0x38;
	[tilespmem:$0x1DE20] =	vst v63  }
0x43: {  	_ =	swait.ge [sflag:s17], $0x2800  }
0x44: {  	[sflag:s17] =	ssyncset.done $0x0  }
0x45: {  	[sflag:s17] =	ssyncadd.s32 $0xFFFFD800  }
0x46: {  	[spmem:s13] =	stream.linear.scatter [tilespmem:s20], [sflag:$0x5], $0x2800, $0x38;
	[tilespmem:$0x1DE20] =	vst v63  }
0x47: {  	_ =	swait.ge [sflag:s17], $0x2800  }
0x48: {  	[sflag:s17] =	ssyncset.done $0x0  }
0x49: {  	[sflag:s17] =	ssyncadd.s32 $0xFFFFD800  }
0x4a: {  	_ =	swait.ge [sflag:s21], $0x50  }
0x4b: {  	s28 =	simm.s32 $0x7C;
	[sflag:s21] =	ssyncset.done $0x0  }
.LBB2_6:
0x4c: {  	p0 =	sne.s32 s28, $0x1;
	s28 =	sadd.s32 $0xFFFFFFFF, s28;
	[sflag:s21] =	ssyncadd.s32 $0xFFFFFFB0  }
.Ltmp2:
0x4d: {  	(pc) =	sbr.rel @p0 .LBB2_6-.Ltmp2, $3  }
0x4e: {  	_ =	sdelay $0x1  }
0x4f: {  	_ =	swait.ge [sflag:s21], $0x50  }
0x50: {  	[sflag:s21] =	ssyncset.done $0x0  }
0x51: {  	[sflag:s21] =	ssyncadd.s32 $0xFFFFFFB0  }
0x52: {  	s28 =	simm.s32 $0x50;
	[bflag:$0x0] =	sbarrier.arrive $0xFFFF  }
0x53: {  	[tilespmem:s20], [sflag:$0x1] =	stream.indirect.gather [hbm4b:s4+s18], $0x80, s28, s18, $0xb8;
	[tilespmem:$0x1DE20] =	vst v63  }
0x54: {  	_ =	swait.ge [sflag:s22], $0x2800  }
0x55: {  	[sflag:s22] =	ssyncset.done $0x0  }
0x56: {  	s28 =	simm.s32 $0x2710;
	[sflag:s22] =	ssyncadd.s32 $0xFFFFD800  }
0x57: {  	[spmem:s2] =	stream.indirect.scatter.add.f32 [tilespmem:s19], [sflag:$0x3], $0x80, s28, s18, $0xb8;
	[tilespmem:$0x1DE20] =	vst v63  }
0x58: {  	_ =	swait.ge [sflag:s23], $0x2800  }
0x59: {  	[sflag:s23] =	ssyncset.done $0x0  }
0x5a: {  	s28 =	simm.s32 $0xA0;
	[sflag:s23] =	ssyncadd.s32 $0xFFFFD800  }
0x5b: {  	[tilespmem:s19], [sflag:$0x2] =	stream.indirect.gather [hbm4b:s4+s18], $0x80, s28, s18, $0xb8;
	[tilespmem:$0x1DE20] =	vst v63  }
0x5c: {  	_ =	swait.ge [sflag:s24], $0x2800  }
0x5d: {  	[sflag:s24] =	ssyncset.done $0x0  }
0x5e: {  	s28 =	simm.s32 $0x2760;
	[sflag:s24] =	ssyncadd.s32 $0xFFFFD800  }
0x5f: {  	[spmem:s2] =	stream.indirect.scatter.add.f32 [tilespmem:s20], [sflag:$0x3], $0x80, s28, s18, $0xb8;
	[tilespmem:$0x1DE20] =	vst v63  }
0x60: {  	_ =	swait.ge [sflag:s23], $0x2800  }
0x61: {  	s29 =	simm.s32 $0x500;
	s28 =	simm.s32 $0xA0;
	[sflag:s23] =	ssyncset.done $0x0  }
.LBB2_8:
0x62: {  	s30 =	sadd.s32 $0x50, s28  }
0x63: {  	[sflag:s23] =	ssyncadd.s32 $0xFFFFD800;
	s31 =	smov.u32 s29;
	s0 =	sadd.s32 $0x280, s29  }
0x64: {  	[tilespmem:s20], [sflag:$0x1] =	stream.indirect.gather [hbm4b:s4+s18], $0x80, s30, s18, $0xb8;
	[tilespmem:$0x1DE20] =	vst v63  }
0x65: {  	p0 =	sne.s32 s29, $0x9880;
	_ =	swait.ge [sflag:s22], $0x2800  }
0x66: {  	[sflag:s22] =	ssyncset.done $0x0  }
0x67: {  	s29 =	sadd.s32 $0x2710, s28;
	[sflag:s22] =	ssyncadd.s32 $0xFFFFD800  }
0x68: {  	[spmem:s2] =	stream.indirect.scatter.add.f32 [tilespmem:s19], [sflag:$0x3], $0x80, s29, s18, $0xb8;
	[tilespmem:$0x1DE20] =	vst v63  }
0x69: {  	_ =	swait.ge [sflag:s23], $0x2800  }
0x6a: {  	[sflag:s23] =	ssyncset.done $0x0  }
0x6b: {  	s29 =	sadd.s32 $0xA0, s28;
	[sflag:s23] =	ssyncadd.s32 $0xFFFFD800  }
0x6c: {  	[tilespmem:s19], [sflag:$0x2] =	stream.indirect.gather [hbm4b:s4+s18], $0x80, s29, s18, $0xb8;
	[tilespmem:$0x1DE20] =	vst v63  }
0x6d: {  	_ =	swait.ge [sflag:s24], $0x2800  }
.Ltmp3:
0x6e: {  	[sflag:s24] =	ssyncset.done $0x0;
	(pc) =	sbr.rel @p0 .LBB2_8-.Ltmp3, $4  }
0x6f: {  	s28 =	sadd.s32 $0x2760, s28;
	[sflag:s24] =	ssyncadd.s32 $0xFFFFD800  }
0x70: {  	[spmem:s2] =	stream.indirect.scatter.add.f32 [tilespmem:s20], [sflag:$0x3], $0x80, s28, s18, $0xb8;
	[tilespmem:$0x1DE20] =	vst v63  }
0x71: {  	_ =	swait.ge [sflag:s23], $0x2800  }
0x72: {  	s29 =	smov.u32 s0;
	s28 =	sshra.s32 s31, $0x2;
	[sflag:s23] =	ssyncset.done $0x0  }
0x73: {  	s0 =	sadd.s32 $0x50, s28;
	[sflag:s23] =	ssyncadd.s32 $0xFFFFD800  }
0x74: {  	[tilespmem:s20], [sflag:$0x1] =	stream.indirect.gather [hbm4b:s4+s18], $0x80, s0, s18, $0xb8;
	[tilespmem:$0x1DE20] =	vst v63  }
0x75: {  	_ =	swait.ge [sflag:s22], $0x2800  }
0x76: {  	[sflag:s22] =	ssyncset.done $0x0  }
0x77: {  	s30 =	sadd.s32 $0x2710, s28;
	[sflag:s22] =	ssyncadd.s32 $0xFFFFD800  }
0x78: {  	[spmem:s2] =	stream.indirect.scatter.add.f32 [tilespmem:s19], [sflag:$0x3], $0x80, s30, s18, $0xb8;
	[tilespmem:$0x1DE20] =	vst v63  }
0x79: {  	_ =	swait.ge [sflag:s23], $0x2800  }
0x7a: {  	[sflag:s23] =	ssyncset.done $0x0  }
0x7b: {  	s31 =	sadd.s32 $0xA0, s28;
	[sflag:s23] =	ssyncadd.s32 $0xFFFFD800  }
0x7c: {  	[tilespmem:s19], [sflag:$0x2] =	stream.indirect.gather [hbm4b:s4+s18], $0x80, s31, s18, $0xb8;
	[tilespmem:$0x1DE20] =	vst v63  }
0x7d: {  	_ =	swait.ge [sflag:s24], $0x2800  }
0x7e: {  	[sflag:s24] =	ssyncset.done $0x0  }
0x7f: {  	s29 =	sadd.s32 $0x2760, s28;
	[sflag:s24] =	ssyncadd.s32 $0xFFFFD800  }
0x80: {  	[spmem:s2] =	stream.indirect.scatter.add.f32 [tilespmem:s20], [sflag:$0x3], $0x80, s29, s18, $0xb8;
	[tilespmem:$0x1DE20] =	vst v63  }
0x81: {  	_ =	swait.ge [sflag:s23], $0x2800  }
0x82: {  	[sflag:s23] =	ssyncset.done $0x0  }
0x83: {  	[sflag:s23] =	ssyncadd.s32 $0xFFFFD800  }
0x84: {  	_ =	swait.ge [sflag:s22], $0x2800  }
0x85: {  	[sflag:s22] =	ssyncset.done $0x0  }
0x86: {  	[sflag:s22] =	ssyncadd.s32 $0xFFFFD800  }
0x87: {  	[spmem:s2] =	stream.indirect.scatter.add.f32 [tilespmem:s19], [sflag:$0x3], $0x80, s25, s18, $0xb8;
	[tilespmem:$0x1DE20] =	vst v63  }
0x88: {  	_ =	swait.ge [sflag:s23], $0x2800  }
0x89: {  	s26 =	sadd.s32 $0x1, s26;
	s30 =	sshll.u32 s1, $0x6;
	[sflag:s23] =	ssyncset.done $0x0  }
0x8a: {  	p0 =	sne.s32 s26, s15;
	s0 =	sor.u32 $0x1C05, s30;
	[sflag:s23] =	ssyncadd.s32 $0xFFFFD800  }
.Ltmp4:
0x8b: {  	s31 =	sshrl.u32 s6, $0x3;
	[bflag:$0x0] =	sbarrier.arrive $0xFFFF;
	(pc) =	sbr.rel @p0 .LBB2_1-.Ltmp4, $4  }
0x8c: {  	[hbm:s14], [sflag:s0] =	dma.local [spmem:s31], $0x2800  }
0x8d: {  	_ =	swait.ge [sflag:s17], $0x2800  }
0x8e: {  	[sflag:s17] =	ssyncset.done $0x0  }
0x8f: {  	[sflag:s17] =	ssyncadd.s32 $0xFFFFD800  }
0x90: {  	_ =	sfence.sel $0x180000  }
0x91: {  	[bflag:$0x0] =	sbarrier.arrive $0xFFFF  }
0x92: {  	_ =	strace $0x9000004A  }
0x93: {  	[bflag:$0x2] =	sbarrier.arrive $0xFFFF  }
0x94: {  	p0 =	sne.s32 s1, $0x0;
	s0 =	rddreg [dreg:$0x3]  }
0x95: {  	s0 =	sadd.s32 @!p0 $0x100000, s0  }
0x96: {  	[sflag:s0] =	ssyncadd.tile.s32 @!p0 $0x1;
	_ =	shalt  }
.Lfunc_end2:
_tile_overlayer_lowered:
.L_overlay_start_2:
0x97: {  	(tag) =	ssettag $0x2  }
0x98: {  	s0 =	rddreg [dreg:$0x0];
	s2 =	stileid.u32  }
0x99: {  	s1 =	rddreg [dreg:$0x1];
	p0 =	sne.s32 s2, $0x0  }
0x9a: {  	s3 =	rddreg [dreg:$0x2];
	[bflag:$0x3] =	sbarrier.arrive $0xFFFF;
	s2 =	simm.s32 @!p0 $0x1C05  }
0x9b: {  	[timem:s3], [sflag:s2] =	dma.local @!p0 [hbm:s0], s1  }
0x9c: {  	s0 =	simm.s32 @!p0 $0x5  }
0x9d: {  	_ =	swait.ge @!p0 [sflag:s0], s1  }
0x9e: {  	s1 =	ssub.s32 @!p0 $0x0, s1;
	[sflag:s0] =	ssyncset.done @!p0 $0x0  }
0x9f: {  	[sflag:s0] =	ssyncadd.s32 @!p0 s1  }
0xa0: {  	[bflag:$0x3] =	sbarrier.arrive $0xFFFF  }
0xa1: {  	_ =	shalt  }

// kernel: kernel.15.cloned.1.call-start
scs
__scs_entry_jumppad:
0x0: {  	(pc) =	sbr.rel $0x88, $3  }
0x1: {  	(tag) =	ssettag $0x0;
	lr =	simm.s32 $0x1  }
0x2: {  	[smem:$0x3F9B] =	sst lr;
	_ =	strace $0xD0000000  }
0x3: {  	_ = 	snop  }
0x4: {  	_ = 	snop  }
0x5: {  	_ = 	snop  }
0x6: {  	_ = 	snop  }
0x7: {  	_ = 	snop  }
__scs_overlays_trampoline_lowered:
0x8: {  	[smem:$0x3FAA] =	sst s0  }
0x9: {  	[smem:$0x3FAB] =	sst s1  }
0xa: {  	[smem:$0x3FAC] =	sst s2  }
0xb: {  	[smem:$0x3FAD] =	sst s3  }
0xc: {  	[smem:$0x3FAE] =	sst s4  }
0xd: {  	[smem:$0x3FAF] =	sst s5  }
0xe: {  	[smem:$0x3FB0] =	sst s6  }
0xf: {  	[smem:$0x3FB1] =	sst s7  }
0x10: {  	[smem:$0x3FB2] =	sst s8  }
0x11: {  	[smem:$0x3FB3] =	sst s9;
	s0 =	simm.s32 @!p0 $0x0  }
0x12: {  	s1 =	sld [smem:$0x3F99];
	s0 =	simm.s32 @p0 $0x1  }
0x13: {  	[smem:$0x3FB4] =	sst s0;
	s0 =	simm.s32 @!p1 $0x0  }
0x14: {  	s2 =	sld [smem:$0x3F98];
	s0 =	simm.s32 @p1 $0x1  }
0x15: {  	[smem:$0x3FB5] =	sst s0;
	s0 =	simm.s32 @!p2 $0x0  }
0x16: {  	s3 =	sld [smem:$0x3FDB];
	s0 =	simm.s32 @p2 $0x1  }
0x17: {  	s4 =	simm.s32 $0x1BF5;
	[smem:$0x3FB7] =	sst s0  }
0x18: {  	s0 =	sld [smem:$0x3F9A];
	_ =	swait.ge [sflag:s4], $0x0  }
0x19: {  	s7 =	sld [smem:$0x3F9B]  }
0x1a: {  	s8 =	sadd.s32 $0xFFFFE003, lr  }
0x1b: {  	s9 =	sadd.s32 $0xFFFFFEF7, lr;
	s5 =	simm.s32 $0xFFFFFFFF;
	p2 =	slt.u32 s8, $0xFFFFF086  }
0x1c: {  	p1 =	slt.u32 s9, $0xF7A;
	s5 =	simm.s32 @!p2 $0x0  }
0x1d: {  	s5 =	simm.s32 @p1 $0x1;
	p0 =	seq.s32 s7, s2  }
0x1e: {  	s7 =	smul.u32 @!p0 $0xF7A, s2;
	p2 =	seq.s32 @!p0 s5, $0x0  }
0x1f: {  	s9 =	smul.u32 $0xF7A, s1;
	s8 =	simm.s32 @!p0 $0x1BF5;
	p2 =	por !p2, p0  }
0x20: {  	[sflag:s8] =	ssyncset.s32 @!p0 $0xFFFFF086;
	s6 =	sadd.s32 @!p0 s3, s7;
	s7 =	simm.s32 @!p0 $0x108  }
0x21: {  	s3 =	sadd.s32 s3, s9;
	s6 =	sadd.s32 @!p0 $0x88, s6;
	s7 =	simm.s32 @p2 $0x1082  }
0x22: {  	[simem:s7], [sflag:s8] =	dma.local @!p0 [hbm:s6], $0xF7A  }
0x23: {  	s9 =	sor.u32 $0xD0000000, s2;
	s6 =	simm.s32 $0x108;
	_ =	swait.ge @!p0 [sflag:s8], $0x0  }
0x24: {  	s3 =	sadd.s32 $0x88, s3;
	s6 =	simm.s32 @!p1 $0x1082;
	[sflag:s4] =	ssyncset.s32 $0xFFFFF086  }
0x25: {  	[simem:s6], [sflag:s4] =	dma.local [hbm:s3], $0xF7A  }
0x26: {  	[smem:$0x3F9B] =	sst s1;
	(tag) =	ssettag s2;
	_ =	strace s9  }
0x27: {  	s1 =	sld [smem:$0x3FAB]  }
0x28: {  	s2 =	sld [smem:$0x3FAC]  }
0x29: {  	s4 =	sld [smem:$0x3FAE]  }
0x2a: {  	p0 =	seq.s32 s5, $0x0;
	s5 =	sld [smem:$0x3FAF]  }
0x2b: {  	s6 =	sld [smem:$0x3FB0]  }
0x2c: {  	s7 =	sld [smem:$0x3FB1]  }
0x2d: {  	s3 =	simm.s32 $0x108;
	s8 =	sld [smem:$0x3FB2]  }
0x2e: {  	s3 =	simm.s32 @!p0 $0x1082;
	s9 =	sld [smem:$0x3FB3]  }
0x2f: {  	lr =	sadd.s32 s0, s3;
	s0 =	sld [smem:$0x3FAA]  }
0x30: {  	s3 =	sld [smem:$0x3FAD]  }
0x31: {  	[smem:$0x3FB6] =	sst s10  }
0x32: {  	s10 =	sld [smem:$0x3FB4];
	_ =	sdelay $0x3  }
0x33: {  	p0 =	seq.s32 s10, $0x1;
	s10 =	sld [smem:$0x3FB6];
	_ =	sdelay $0x3  }
0x34: {  	[smem:$0x3FB6] =	sst s10  }
0x35: {  	s10 =	sld [smem:$0x3FB5];
	_ =	sdelay $0x3  }
0x36: {  	p1 =	seq.s32 s10, $0x1;
	s10 =	sld [smem:$0x3FB6];
	_ =	sdelay $0x3  }
0x37: {  	[smem:$0x3FB6] =	sst s10  }
0x38: {  	s10 =	sld [smem:$0x3FB7]  }
0x39: {  	_ = 	snop;
	(pc) =	sbr.ind lr, $3  }
0x3a: {  	_ = 	snop  }
0x3b: {  	_ = 	snop  }
0x3c: {  	p2 =	seq.s32 s10, $0x1;
	s10 =	sld [smem:$0x3FB6]  }
0x3d: {  	_ =	shalt  }
0x3e: {  	_ =	shalt  }
0x3f: {  	_ =	shalt  }
0x40: {  	_ =	shalt  }
0x41: {  	_ =	shalt  }
0x42: {  	_ =	shalt  }
0x43: {  	_ =	shalt  }
0x44: {  	_ =	shalt  }
0x45: {  	_ =	shalt  }
0x46: {  	_ =	shalt  }
0x47: {  	_ =	shalt  }
0x48: {  	_ =	shalt  }
0x49: {  	_ =	shalt  }
0x4a: {  	_ =	shalt  }
0x4b: {  	_ =	shalt  }
0x4c: {  	_ =	shalt  }
0x4d: {  	_ =	shalt  }
0x4e: {  	_ =	shalt  }
0x4f: {  	_ =	shalt  }
0x50: {  	_ =	shalt  }
0x51: {  	_ =	shalt  }
0x52: {  	_ =	shalt  }
0x53: {  	_ =	shalt  }
0x54: {  	_ =	shalt  }
0x55: {  	_ =	shalt  }
0x56: {  	_ =	shalt  }
0x57: {  	_ =	shalt  }
0x58: {  	_ =	shalt  }
0x59: {  	_ =	shalt  }
0x5a: {  	_ =	shalt  }
0x5b: {  	_ =	shalt  }
0x5c: {  	_ =	shalt  }
0x5d: {  	_ =	shalt  }
0x5e: {  	_ =	shalt  }
0x5f: {  	_ =	shalt  }
0x60: {  	_ =	shalt  }
0x61: {  	_ =	shalt  }
0x62: {  	_ =	shalt  }
0x63: {  	_ =	shalt  }
0x64: {  	_ =	shalt  }
0x65: {  	_ =	shalt  }
0x66: {  	_ =	shalt  }
0x67: {  	_ =	shalt  }
0x68: {  	_ =	shalt  }
0x69: {  	_ =	shalt  }
0x6a: {  	_ =	shalt  }
0x6b: {  	_ =	shalt  }
0x6c: {  	_ =	shalt  }
0x6d: {  	_ =	shalt  }
0x6e: {  	_ =	shalt  }
0x6f: {  	_ =	shalt  }
0x70: {  	_ =	shalt  }
0x71: {  	_ =	shalt  }
0x72: {  	_ =	shalt  }
0x73: {  	_ =	shalt  }
0x74: {  	_ =	shalt  }
0x75: {  	_ =	shalt  }
0x76: {  	_ =	shalt  }
0x77: {  	_ =	shalt  }
0x78: {  	_ =	shalt  }
0x79: {  	_ =	shalt  }
0x7a: {  	_ =	shalt  }
0x7b: {  	_ =	shalt  }
0x7c: {  	_ =	shalt  }
0x7d: {  	_ =	shalt  }
0x7e: {  	_ =	shalt  }
0x7f: {  	_ =	shalt  }
0x80: {  	_ =	shalt  }
0x81: {  	_ =	shalt  }
0x82: {  	_ =	shalt  }
0x83: {  	_ =	shalt  }
0x84: {  	_ =	shalt  }
0x85: {  	_ =	shalt  }
0x86: {  	_ =	shalt  }
0x87: {  	_ =	shalt  }
.Lfunc_end0:
.L_simem_size_0:
called_computation.2_lowered:
.L_overlay_start_0:
0x88: {  	s2 =	sld [smem:$0x3FD9]  }
0x89: {  	s3 =	sld [smem:$0x3FFE];
	_ =	sdelay $0x1  }
0x8a: {  	s1 =	srdreg.scid  }
0x8b: {  	s0 =	sand.u32 $0x1, s1  }
0x8c: {  	s17 =	sshll.u32 s0, $0xA;
	s2 =	sadd.s32 s3, s2  }
0x8d: {  	s2 =	sadd.s32 s2, s17  }
0x8e: {  	[smem:$0x3FC2] =	sst s2  }
0x8f: {  	_ = 	snop  }
0x90: {  	s2 =	sld [smem:$0x3FD0];
	(tm) =	ssettm $0x1  }
0x91: {  	s18 =	sld [smem:$0x3FFB];
	_ =	sdelay $0x3  }
0x92: {  	_ =	strace s18  }
0x93: {  	s3 =	sld [smem:$0x3FFC];
	_ =	sdelay $0x3  }
0x94: {  	_ =	strace s3  }
0x95: {  	s3 =	sld [smem:$0x3FFD];
	_ =	sdelay $0x3  }
0x96: {  	_ =	strace s3  }
0x97: {  	_ =	strace $0x8FFFFFFF  }
0x98: {  	s19 =	sld [smem:$0x3FDB];
	_ =	sdelay $0x1  }
0x99: {  	s4 =	simm.s32 $_scs_section_size  }
0x9a: {  	s5 =	simm.s32 $_size__tile_overlayer_lowered;
	s6 =	simm.s32 $_tile_overlayer_lowered  }
0x9b: {  	s22 =	simm.s32 $0x1BFF;
	s21 =	sshll.u32 s6, $0x1;
	s3 =	sadd.s32 s4, s19  }
0x9c: {  	s7 =	simm.s32 $0x0;
	s20 =	sshll.u32 s5, $0x1;
	s5 =	sadd.s32 s21, s3  }
0x9d: {  	[timem:s7], [sflag:s22] =	dma.local [hbm:s5], s20  }
0x9e: {  	_ =	swait.ge [sflag:s22], s20  }
0x9f: {  	s4 =	ssub.s32 $0x0, s20;
	[sflag:s22] =	ssyncset.done $0x0  }
0xa0: {  	[sflag:s22] =	ssyncadd.s32 s4;
	_ =	sdelay $0x1  }
0xa1: {  	s23 =	simm.s32 $0x1B8B  }
0xa2: {  	_ =	swait.ge [sflag:s23], $0x1  }
0xa3: {  	[sflag:s23] =	ssyncset.done $0x0  }
0xa4: {  	s25 =	simm.s32 $0x1B8E;
	s24 =	sld [smem:$0x3FFE];
	[sflag:s23] =	ssyncadd.s32 $0xFFFFFFFF  }
0xa5: {  	s26 =	simm.s32 $execute0_lowered;
	[smem:$0x3FD2] =	sst s25  }
0xa6: {  	s5 =	sshll.u32 s26, $0x1;
	_ =	strace $0x8000004C;
	[dreg:$0x1] =	wrdreg $0xFFFFFFFF  }
0xa7: {  	s28 =	simm.s32 $_size_execute0_lowered;
	s3 =	sadd.s32 s3, s5;
	[dreg:$0x0] =	wrdreg $0x0  }
0xa8: {  	s5 =	sshll.u32 s28, $0x1;
	[dreg:$0x2] =	wrdreg s3  }
0xa9: {  	[dreg:$0x3] =	wrdreg s5  }
0xaa: {  	[dreg:$0x4] =	wrdreg $0xC0  }
0xab: {  	_ =	task [dreg:s7], $0x5FFFF  }
0xac: {  	[dreg:$0x1] =	wrdreg $0xFFFFFFFF  }
0xad: {  	[dreg:$0x0] =	wrdreg $0x60  }
0xae: {  	[dreg:$0x2] =	wrdreg s24  }
0xaf: {  	[dreg:$0x3] =	wrdreg s2  }
0xb0: {  	[dreg:$0x4] =	wrdreg $0x76200  }
0xb1: {  	[dreg:$0x5] =	wrdreg $0x9  }
0xb2: {  	_ =	task.clear_ibuf [dreg:s7], $0x6FFFF;
	_ =	strace $0x9000004C  }
0xb3: {  	s29 =	simm.s32 $0x9;
	_ =	strace $0x8000004E  }
0xb4: {  	_ =	swait.ge [sflag:s29], $0x1  }
0xb5: {  	[sflag:s29] =	ssyncadd.s32 $0xFFFFFFFF  }
0xb6: {  	_ =	strace $0x9000004E  }
0xb7: {  	_ =	sfence  }
0xb8: {  	s30 =	sld [smem:$0x0];
	_ =	sdelay $0x2  }
0xb9: {  	s31 =	sshll.u32 s1, $0xD;
	s1 =	sshrl.u32 s1, $0x2  }
0xba: {  	s3 =	sand.u32 $0x4000, s31;
	s1 =	sadd.s32 s1, s30  }
0xbb: {  	s0 =	sor.u32 s3, s0;
	s1 =	sshll.u32 s1, $0x11  }
0xbc: {  	s0 =	sor.u32 s1, s0  }
0xbd: {  	s0 =	sadd.s32 $0x8F2B, s0  }
0xbe: {  	[sflag:s0] =	ssyncadd.remote.s32 $0x1  }
0xbf: {  	_ =	sfence.sel $0xFFFF  }
0xc0: {  	[dreg:$0x0] =	wrdreg $0xFFFFFFFF;
	(pc) =	sbr.abs _section_cstart, $3  }
0xc1: {  	[dreg:$0x1] =	wrdreg $0xFFFFFFFF  }
0xc2: {  	_ =	task.clear_ibuf [dreg:s7], $0x2FFFF;
	_ =	strace $0x9FFFFFFF  }
0xc3: {  	(tm) =	ssettm $0x7FFFFFFF  }
tec
execute0_lowered:
.L_overlay_start_1:
0x0: {  	(tag) =	ssettag $0x1  }
0x1: {  	s5 =	rddreg [dreg:$0x0]  }
0x2: {  	s16 =	rddreg [dreg:$0x1]  }
0x3: {  	s2 =	rddreg [dreg:$0x2];
	s4 =	srdreg.scid  }
0x4: {  	s1 =	stileid.u32;
	s3 =	simm.s32 $0x0;
	s18 =	simm.s32 $0x50  }
0x5: {  	s19 =	simm.s32 $0x6220;
	s20 =	simm.s32 $0x4E20;
	s21 =	simm.s32 $0x4  }
0x6: {  	s22 =	simm.s32 $0x2;
	s23 =	simm.s32 $0x3;
	s7 =	smul.u32 $0xA000, s1  }
0x7: {  	s24 =	simm.s32 $0x1;
	s25 =	simm.s32 $0x4DD0;
	s12 =	smul.u32 $0x28000, s1  }
0x8: {  	s26 =	simm.s32 $0x0;
	s6 =	sand.u32 $0x1, s4;
	s31 =	smul.u32 $0x2710, s1  }
0x9: {  	[smem:$0x7FF] =	sst s3;
	s4 =	smul.u32 $0xA0000, s6;
	s8 =	sshll.u32 s6, $0x4  }
0xa: {  	_ =	strace $0x8000004D;
	s9 =	ssub.s32 $0x2, s6;
	s30 =	smul.u32 $0x27100, s6  }
0xb: {  	s8 =	sor.u32 s1, s8;
	s11 =	sshrl.u32 s9, $0x1;
	s29 =	sshrl.u32 s12, $0x2  }
0xc: {  	s6 =	sadd.s32 s7, s2;
	s4 =	sadd.s32 s7, s4;
	s8 =	smul.u32 $0x2710, s8  }
0xd: {  	s15 =	ssub.s32 s9, s11;
	s13 =	sadd.s32 s29, s2;
	s17 =	sadd.s32 s31, s30  }
0xe: {  	s10 =	sshrl.u32 s4, $0x3;
	s4 =	sadd.s32 $0x2600, s5;
	s7 =	sadd.s32 $0x1400, s13  }
0xf: {  	s9 =	sadd.s32 $0x3C00, s13;
	s11 =	sadd.s32 $0x6400, s13;
	s12 =	sadd.s32 $0x7800, s13  }
0x10: {  	s17 =	sadd.s32 $0x4E200, s17;
	s15 =	smax.u32 s15, $0x1;
	s14 =	sadd.s32 s10, s5  }
0x11: {  	s28 =	sshrl.u32 s8, $0x3;
	s8 =	sadd.s32 $0x2800, s13;
	s10 =	sadd.s32 $0x5000, s13  }
0x12: {  	s13 =	sadd.s32 $0x8C00, s13;
	s17 =	sshrl.u32 s17, $0x3;
	s5 =	sadd.s32 s16, s28  }
0x13: {  	v0 =	vimm.f32 $0.0e+00;
	s14 =	sadd.s32 $0x16000, s14;
	s16 =	sadd.s32 s17, s16;
	s17 =	simm.s32 $0x5  }
.LBB2_1:
0x14: {  	s28 =	simm.s32 $0x2710  }
0x15: {  	s29 =	simm.s32 $0xA;
	s31 =	sadd.s32 $0x0, s16;
	s30 =	simm.s32 $0x2760  }
.LBB2_2:
0x16: {  	[tilespmem:s28], [sflag:$0x4] =	stream.linear.gather [hbm4b:s31+s3], $0x50, $0x38;
	[tilespmem:$0x11620] =	vst v63  }
0x17: {  	s31 =	smov.u32 s29;
	s28 =	smov.u32 s30;
	p0 =	sne.s32 s29, $0x4D8  }
.Ltmp0:
0x18: {  	s29 =	sadd.s32 $0xA, s29;
	(pc) =	sbr.rel @p0 .LBB2_2-.Ltmp0, $2  }
0x19: {  	_ =	sdelay $0x2  }
0x1a: {  	s30 =	sadd.s32 $0x50, s30;
	s31 =	sadd.s32 s31, s16  }
0x1b: {  	[tilespmem:s28], [sflag:$0x4] =	stream.linear.gather [hbm4b:s31+s3], $0x50, $0x38;
	[tilespmem:$0x11620] =	vst v63  }
0x1c: {  	s28 =	simm.s32 $0x0  }
0x1d: {  	[tilespmem:s28], [sflag:$0x5] =	stream.linear.gather [hbm4b:s5+s28], $0x2710, $0x38;
	[tilespmem:$0x11620] =	vst v63  }
0x1e: {  	s29 =	sand.u32 $0x7F00, s28;
	_ =	swait.ge [sflag:s17], $0x2710  }
0x1f: {  	s30 =	sand.u32 $0x30, s28;
	s0 =	sshrl.u32 s29, $0x2;
	[sflag:s17] =	ssyncset.done $0x0  }
0x20: {  	s29 =	simm.s32 $0x40;
	s30 =	sor.u32 s30, s0;
	[sflag:s17] =	ssyncadd.s32 $0xFFFFD8F0  }
0x21: {  	[tilespmem:s19], [sflag:$0x2] =	stream.indirect.gather [hbm4b:s4+s18], $0x40, s28, s18, $0xb8;
	[tilespmem:$0x11620] =	vst v63  }
.LBB2_4:
0x22: {  	p0 =	sne.s32 s29, $0x4FC0  }
0x23: {  	[tilespmem:s30+$0x4E20] =	vst v0;
	s28 =	sadd.s32 $0x10, s28;
	s30 =	smov.u32 s29;
	s29 =	sadd.s32 $0x40, s29  }
.Ltmp1:
0x24: {  	(pc) =	sbr.rel @p0 .LBB2_4-.Ltmp1, $4  }
0x25: {  	_ = 	snop  }
0x26: {  	s30 =	sand.u32 $0x7F00, s30  }
0x27: {  	s31 =	sand.u32 $0x30, s28;
	s30 =	sshrl.u32 s30, $0x2  }
0x28: {  	s30 =	sor.u32 s31, s30  }
0x29: {  	[tilespmem:s30+$0x4E20] =	vst v0  }
0x2a: {  	[spmem:s6] =	stream.linear.scatter [tilespmem:s20], [sflag:$0x5], $0x1400, $0x38;
	[tilespmem:$0x11620] =	vst v63  }
0x2b: {  	_ =	swait.ge [sflag:s17], $0x1400  }
0x2c: {  	[sflag:s17] =	ssyncset.done $0x0  }
0x2d: {  	[sflag:s17] =	ssyncadd.s32 $0xFFFFEC00  }
0x2e: {  	[spmem:s7] =	stream.linear.scatter [tilespmem:s20], [sflag:$0x5], $0x1400, $0x38;
	[tilespmem:$0x11620] =	vst v63  }
0x2f: {  	_ =	swait.ge [sflag:s17], $0x1400  }
0x30: {  	[sflag:s17] =	ssyncset.done $0x0  }
0x31: {  	[sflag:s17] =	ssyncadd.s32 $0xFFFFEC00  }
0x32: {  	[spmem:s8] =	stream.linear.scatter [tilespmem:s20], [sflag:$0x5], $0x1400, $0x38;
	[tilespmem:$0x11620] =	vst v63  }
0x33: {  	_ =	swait.ge [sflag:s17], $0x1400  }
0x34: {  	[sflag:s17] =	ssyncset.done $0x0  }
0x35: {  	[sflag:s17] =	ssyncadd.s32 $0xFFFFEC00  }
0x36: {  	[spmem:s9] =	stream.linear.scatter [tilespmem:s20], [sflag:$0x5], $0x1400, $0x38;
	[tilespmem:$0x11620] =	vst v63  }
0x37: {  	_ =	swait.ge [sflag:s17], $0x1400  }
0x38: {  	[sflag:s17] =	ssyncset.done $0x0  }
0x39: {  	[sflag:s17] =	ssyncadd.s32 $0xFFFFEC00  }
0x3a: {  	[spmem:s10] =	stream.linear.scatter [tilespmem:s20], [sflag:$0x5], $0x1400, $0x38;
	[tilespmem:$0x11620] =	vst v63  }
0x3b: {  	_ =	swait.ge [sflag:s17], $0x1400  }
0x3c: {  	[sflag:s17] =	ssyncset.done $0x0  }
0x3d: {  	[sflag:s17] =	ssyncadd.s32 $0xFFFFEC00  }
0x3e: {  	[spmem:s11] =	stream.linear.scatter [tilespmem:s20], [sflag:$0x5], $0x1400, $0x38;
	[tilespmem:$0x11620] =	vst v63  }
0x3f: {  	_ =	swait.ge [sflag:s17], $0x1400  }
0x40: {  	[sflag:s17] =	ssyncset.done $0x0  }
0x41: {  	[sflag:s17] =	ssyncadd.s32 $0xFFFFEC00  }
0x42: {  	[spmem:s12] =	stream.linear.scatter [tilespmem:s20], [sflag:$0x5], $0x1400, $0x38;
	[tilespmem:$0x11620] =	vst v63  }
0x43: {  	_ =	swait.ge [sflag:s17], $0x1400  }
0x44: {  	[sflag:s17] =	ssyncset.done $0x0  }
0x45: {  	[sflag:s17] =	ssyncadd.s32 $0xFFFFEC00  }
0x46: {  	[spmem:s13] =	stream.linear.scatter [tilespmem:s20], [sflag:$0x5], $0x1400, $0x38;
	[tilespmem:$0x11620] =	vst v63  }
0x47: {  	_ =	swait.ge [sflag:s17], $0x1400  }
0x48: {  	[sflag:s17] =	ssyncset.done $0x0  }
0x49: {  	[sflag:s17] =	ssyncadd.s32 $0xFFFFEC00  }
0x4a: {  	_ =	swait.ge [sflag:s21], $0x50  }
0x4b: {  	s28 =	simm.s32 $0x7C;
	[sflag:s21] =	ssyncset.done $0x0  }
.LBB2_6:
0x4c: {  	p0 =	sne.s32 s28, $0x1;
	s28 =	sadd.s32 $0xFFFFFFFF, s28;
	[sflag:s21] =	ssyncadd.s32 $0xFFFFFFB0  }
.Ltmp2:
0x4d: {  	(pc) =	sbr.rel @p0 .LBB2_6-.Ltmp2, $3  }
0x4e: {  	_ =	sdelay $0x1  }
0x4f: {  	_ =	swait.ge [sflag:s21], $0x50  }
0x50: {  	[sflag:s21] =	ssyncset.done $0x0  }
0x51: {  	[sflag:s21] =	ssyncadd.s32 $0xFFFFFFB0  }
0x52: {  	s28 =	simm.s32 $0x50;
	[bflag:$0x0] =	sbarrier.arrive $0xFFFF  }
0x53: {  	[tilespmem:s20], [sflag:$0x1] =	stream.indirect.gather [hbm4b:s4+s18], $0x40, s28, s18, $0xb8;
	[tilespmem:$0x11620] =	vst v63  }
0x54: {  	_ =	swait.ge [sflag:s22], $0x1400  }
0x55: {  	[sflag:s22] =	ssyncset.done $0x0  }
0x56: {  	s28 =	simm.s32 $0x2710;
	[sflag:s22] =	ssyncadd.s32 $0xFFFFEC00  }
0x57: {  	[spmem:s2] =	stream.indirect.scatter.add.f32 [tilespmem:s19], [sflag:$0x3], $0x40, s28, s18, $0xb8;
	[tilespmem:$0x11620] =	vst v63  }
0x58: {  	_ =	swait.ge [sflag:s23], $0x1400  }
0x59: {  	[sflag:s23] =	ssyncset.done $0x0  }
0x5a: {  	s28 =	simm.s32 $0xA0;
	[sflag:s23] =	ssyncadd.s32 $0xFFFFEC00  }
0x5b: {  	[tilespmem:s19], [sflag:$0x2] =	stream.indirect.gather [hbm4b:s4+s18], $0x40, s28, s18, $0xb8;
	[tilespmem:$0x11620] =	vst v63  }
0x5c: {  	_ =	swait.ge [sflag:s24], $0x1400  }
0x5d: {  	[sflag:s24] =	ssyncset.done $0x0  }
0x5e: {  	s28 =	simm.s32 $0x2760;
	[sflag:s24] =	ssyncadd.s32 $0xFFFFEC00  }
0x5f: {  	[spmem:s2] =	stream.indirect.scatter.add.f32 [tilespmem:s20], [sflag:$0x3], $0x40, s28, s18, $0xb8;
	[tilespmem:$0x11620] =	vst v63  }
0x60: {  	_ =	swait.ge [sflag:s23], $0x1400  }
0x61: {  	s29 =	simm.s32 $0x500;
	s28 =	simm.s32 $0xA0;
	[sflag:s23] =	ssyncset.done $0x0  }
.LBB2_8:
0x62: {  	s30 =	sadd.s32 $0x50, s28  }
0x63: {  	[sflag:s23] =	ssyncadd.s32 $0xFFFFEC00;
	s31 =	smov.u32 s29;
	s0 =	sadd.s32 $0x280, s29  }
0x64: {  	[tilespmem:s20], [sflag:$0x1] =	stream.indirect.gather [hbm4b:s4+s18], $0x40, s30, s18, $0xb8;
	[tilespmem:$0x11620] =	vst v63  }
0x65: {  	p0 =	sne.s32 s29, $0x9880;
	_ =	swait.ge [sflag:s22], $0x1400  }
0x66: {  	[sflag:s22] =	ssyncset.done $0x0  }
0x67: {  	s29 =	sadd.s32 $0x2710, s28;
	[sflag:s22] =	ssyncadd.s32 $0xFFFFEC00  }
0x68: {  	[spmem:s2] =	stream.indirect.scatter.add.f32 [tilespmem:s19], [sflag:$0x3], $0x40, s29, s18, $0xb8;
	[tilespmem:$0x11620] =	vst v63  }
0x69: {  	_ =	swait.ge [sflag:s23], $0x1400  }
0x6a: {  	[sflag:s23] =	ssyncset.done $0x0  }
0x6b: {  	s29 =	sadd.s32 $0xA0, s28;
	[sflag:s23] =	ssyncadd.s32 $0xFFFFEC00  }
0x6c: {  	[tilespmem:s19], [sflag:$0x2] =	stream.indirect.gather [hbm4b:s4+s18], $0x40, s29, s18, $0xb8;
	[tilespmem:$0x11620] =	vst v63  }
0x6d: {  	_ =	swait.ge [sflag:s24], $0x1400  }
.Ltmp3:
0x6e: {  	[sflag:s24] =	ssyncset.done $0x0;
	(pc) =	sbr.rel @p0 .LBB2_8-.Ltmp3, $4  }
0x6f: {  	s28 =	sadd.s32 $0x2760, s28;
	[sflag:s24] =	ssyncadd.s32 $0xFFFFEC00  }
0x70: {  	[spmem:s2] =	stream.indirect.scatter.add.f32 [tilespmem:s20], [sflag:$0x3], $0x40, s28, s18, $0xb8;
	[tilespmem:$0x11620] =	vst v63  }
0x71: {  	_ =	swait.ge [sflag:s23], $0x1400  }
0x72: {  	s29 =	smov.u32 s0;
	s28 =	sshra.s32 s31, $0x2;
	[sflag:s23] =	ssyncset.done $0x0  }
0x73: {  	s0 =	sadd.s32 $0x50, s28;
	[sflag:s23] =	ssyncadd.s32 $0xFFFFEC00  }
0x74: {  	[tilespmem:s20], [sflag:$0x1] =	stream.indirect.gather [hbm4b:s4+s18], $0x40, s0, s18, $0xb8;
	[tilespmem:$0x11620] =	vst v63  }
0x75: {  	_ =	swait.ge [sflag:s22], $0x1400  }
0x76: {  	[sflag:s22] =	ssyncset.done $0x0  }
0x77: {  	s30 =	sadd.s32 $0x2710, s28;
	[sflag:s22] =	ssyncadd.s32 $0xFFFFEC00  }
0x78: {  	[spmem:s2] =	stream.indirect.scatter.add.f32 [tilespmem:s19], [sflag:$0x3], $0x40, s30, s18, $0xb8;
	[tilespmem:$0x11620] =	vst v63  }
0x79: {  	_ =	swait.ge [sflag:s23], $0x1400  }
0x7a: {  	[sflag:s23] =	ssyncset.done $0x0  }
0x7b: {  	s31 =	sadd.s32 $0xA0, s28;
	[sflag:s23] =	ssyncadd.s32 $0xFFFFEC00  }
0x7c: {  	[tilespmem:s19], [sflag:$0x2] =	stream.indirect.gather [hbm4b:s4+s18], $0x40, s31, s18, $0xb8;
	[tilespmem:$0x11620] =	vst v63  }
0x7d: {  	_ =	swait.ge [sflag:s24], $0x1400  }
0x7e: {  	[sflag:s24] =	ssyncset.done $0x0  }
0x7f: {  	s29 =	sadd.s32 $0x2760, s28;
	[sflag:s24] =	ssyncadd.s32 $0xFFFFEC00  }
0x80: {  	[spmem:s2] =	stream.indirect.scatter.add.f32 [tilespmem:s20], [sflag:$0x3], $0x40, s29, s18, $0xb8;
	[tilespmem:$0x11620] =	vst v63  }
0x81: {  	_ =	swait.ge [sflag:s23], $0x1400  }
0x82: {  	[sflag:s23] =	ssyncset.done $0x0  }
0x83: {  	[sflag:s23] =	ssyncadd.s32 $0xFFFFEC00  }
0x84: {  	_ =	swait.ge [sflag:s22], $0x1400  }
0x85: {  	[sflag:s22] =	ssyncset.done $0x0  }
0x86: {  	[sflag:s22] =	ssyncadd.s32 $0xFFFFEC00  }
0x87: {  	[spmem:s2] =	stream.indirect.scatter.add.f32 [tilespmem:s19], [sflag:$0x3], $0x40, s25, s18, $0xb8;
	[tilespmem:$0x11620] =	vst v63  }
0x88: {  	_ =	swait.ge [sflag:s23], $0x1400  }
0x89: {  	s26 =	sadd.s32 $0x1, s26;
	s30 =	sshll.u32 s1, $0x6;
	[sflag:s23] =	ssyncset.done $0x0  }
0x8a: {  	p0 =	sne.s32 s26, s15;
	s0 =	sor.u32 $0x1C05, s30;
	[sflag:s23] =	ssyncadd.s32 $0xFFFFEC00  }
.Ltmp4:
0x8b: {  	s31 =	sshrl.u32 s6, $0x3;
	[bflag:$0x0] =	sbarrier.arrive $0xFFFF;
	(pc) =	sbr.rel @p0 .LBB2_1-.Ltmp4, $4  }
0x8c: {  	[hbm:s14], [sflag:s0] =	dma.local [spmem:s31], $0x1400  }
0x8d: {  	_ =	swait.ge [sflag:s17], $0x1400  }
0x8e: {  	[sflag:s17] =	ssyncset.done $0x0  }
0x8f: {  	[sflag:s17] =	ssyncadd.s32 $0xFFFFEC00  }
0x90: {  	_ =	sfence.sel $0x180000  }
0x91: {  	[bflag:$0x0] =	sbarrier.arrive $0xFFFF  }
0x92: {  	_ =	strace $0x9000004D  }
0x93: {  	[bflag:$0x2] =	sbarrier.arrive $0xFFFF  }
0x94: {  	p0 =	sne.s32 s1, $0x0;
	s0 =	rddreg [dreg:$0x3]  }
0x95: {  	s0 =	sadd.s32 @!p0 $0x100000, s0  }
0x96: {  	[sflag:s0] =	ssyncadd.tile.s32 @!p0 $0x1;
	_ =	shalt  }
.Lfunc_end2:
_tile_overlayer_lowered:
.L_overlay_start_2:
0x97: {  	(tag) =	ssettag $0x2  }
0x98: {  	s0 =	rddreg [dreg:$0x0];
	s2 =	stileid.u32  }
0x99: {  	s1 =	rddreg [dreg:$0x1];
	p0 =	sne.s32 s2, $0x0  }
0x9a: {  	s3 =	rddreg [dreg:$0x2];
	[bflag:$0x3] =	sbarrier.arrive $0xFFFF;
	s2 =	simm.s32 @!p0 $0x1C05  }
0x9b: {  	[timem:s3], [sflag:s2] =	dma.local @!p0 [hbm:s0], s1  }
0x9c: {  	s0 =	simm.s32 @!p0 $0x5  }
0x9d: {  	_ =	swait.ge @!p0 [sflag:s0], s1  }
0x9e: {  	s1 =	ssub.s32 @!p0 $0x0, s1;
	[sflag:s0] =	ssyncset.done @!p0 $0x0  }
0x9f: {  	[sflag:s0] =	ssyncadd.s32 @!p0 s1  }
0xa0: {  	[bflag:$0x3] =	sbarrier.arrive $0xFFFF  }
0xa1: {  	_ =	shalt  }

// kernel: kernel.9.cloned.1.call-start
scs
__scs_entry_jumppad:
0x0: {  	(pc) =	sbr.rel $0x88, $3  }
0x1: {  	(tag) =	ssettag $0x0;
	lr =	simm.s32 $0x1  }
0x2: {  	[smem:$0x3F9B] =	sst lr;
	_ =	strace $0xD0000000  }
0x3: {  	_ = 	snop  }
0x4: {  	_ = 	snop  }
0x5: {  	_ = 	snop  }
0x6: {  	_ = 	snop  }
0x7: {  	_ = 	snop  }
__scs_overlays_trampoline_lowered:
0x8: {  	[smem:$0x3FAA] =	sst s0  }
0x9: {  	[smem:$0x3FAB] =	sst s1  }
0xa: {  	[smem:$0x3FAC] =	sst s2  }
0xb: {  	[smem:$0x3FAD] =	sst s3  }
0xc: {  	[smem:$0x3FAE] =	sst s4  }
0xd: {  	[smem:$0x3FAF] =	sst s5  }
0xe: {  	[smem:$0x3FB0] =	sst s6  }
0xf: {  	[smem:$0x3FB1] =	sst s7  }
0x10: {  	[smem:$0x3FB2] =	sst s8  }
0x11: {  	[smem:$0x3FB3] =	sst s9;
	s0 =	simm.s32 @!p0 $0x0  }
0x12: {  	s1 =	sld [smem:$0x3F99];
	s0 =	simm.s32 @p0 $0x1  }
0x13: {  	[smem:$0x3FB4] =	sst s0;
	s0 =	simm.s32 @!p1 $0x0  }
0x14: {  	s2 =	sld [smem:$0x3F98];
	s0 =	simm.s32 @p1 $0x1  }
0x15: {  	[smem:$0x3FB5] =	sst s0;
	s0 =	simm.s32 @!p2 $0x0  }
0x16: {  	s3 =	sld [smem:$0x3FDB];
	s0 =	simm.s32 @p2 $0x1  }
0x17: {  	s4 =	simm.s32 $0x1BF5;
	[smem:$0x3FB7] =	sst s0  }
0x18: {  	s0 =	sld [smem:$0x3F9A];
	_ =	swait.ge [sflag:s4], $0x0  }
0x19: {  	s7 =	sld [smem:$0x3F9B]  }
0x1a: {  	s8 =	sadd.s32 $0xFFFFE003, lr  }
0x1b: {  	s9 =	sadd.s32 $0xFFFFFEF7, lr;
	s5 =	simm.s32 $0xFFFFFFFF;
	p2 =	slt.u32 s8, $0xFFFFF086  }
0x1c: {  	p1 =	slt.u32 s9, $0xF7A;
	s5 =	simm.s32 @!p2 $0x0  }
0x1d: {  	s5 =	simm.s32 @p1 $0x1;
	p0 =	seq.s32 s7, s2  }
0x1e: {  	s7 =	smul.u32 @!p0 $0xF7A, s2;
	p2 =	seq.s32 @!p0 s5, $0x0  }
0x1f: {  	s9 =	smul.u32 $0xF7A, s1;
	s8 =	simm.s32 @!p0 $0x1BF5;
	p2 =	por !p2, p0  }
0x20: {  	[sflag:s8] =	ssyncset.s32 @!p0 $0xFFFFF086;
	s6 =	sadd.s32 @!p0 s3, s7;
	s7 =	simm.s32 @!p0 $0x108  }
0x21: {  	s3 =	sadd.s32 s3, s9;
	s6 =	sadd.s32 @!p0 $0x88, s6;
	s7 =	simm.s32 @p2 $0x1082  }
0x22: {  	[simem:s7], [sflag:s8] =	dma.local @!p0 [hbm:s6], $0xF7A  }
0x23: {  	s9 =	sor.u32 $0xD0000000, s2;
	s6 =	simm.s32 $0x108;
	_ =	swait.ge @!p0 [sflag:s8], $0x0  }
0x24: {  	s3 =	sadd.s32 $0x88, s3;
	s6 =	simm.s32 @!p1 $0x1082;
	[sflag:s4] =	ssyncset.s32 $0xFFFFF086  }
0x25: {  	[simem:s6], [sflag:s4] =	dma.local [hbm:s3], $0xF7A  }
0x26: {  	[smem:$0x3F9B] =	sst s1;
	(tag) =	ssettag s2;
	_ =	strace s9  }
0x27: {  	s1 =	sld [smem:$0x3FAB]  }
0x28: {  	s2 =	sld [smem:$0x3FAC]  }
0x29: {  	s4 =	sld [smem:$0x3FAE]  }
0x2a: {  	p0 =	seq.s32 s5, $0x0;
	s5 =	sld [smem:$0x3FAF]  }
0x2b: {  	s6 =	sld [smem:$0x3FB0]  }
0x2c: {  	s7 =	sld [smem:$0x3FB1]  }
0x2d: {  	s3 =	simm.s32 $0x108;
	s8 =	sld [smem:$0x3FB2]  }
0x2e: {  	s3 =	simm.s32 @!p0 $0x1082;
	s9 =	sld [smem:$0x3FB3]  }
0x2f: {  	lr =	sadd.s32 s0, s3;
	s0 =	sld [smem:$0x3FAA]  }
0x30: {  	s3 =	sld [smem:$0x3FAD]  }
0x31: {  	[smem:$0x3FB6] =	sst s10  }
0x32: {  	s10 =	sld [smem:$0x3FB4];
	_ =	sdelay $0x3  }
0x33: {  	p0 =	seq.s32 s10, $0x1;
	s10 =	sld [smem:$0x3FB6];
	_ =	sdelay $0x3  }
0x34: {  	[smem:$0x3FB6] =	sst s10  }
0x35: {  	s10 =	sld [smem:$0x3FB5];
	_ =	sdelay $0x3  }
0x36: {  	p1 =	seq.s32 s10, $0x1;
	s10 =	sld [smem:$0x3FB6];
	_ =	sdelay $0x3  }
0x37: {  	[smem:$0x3FB6] =	sst s10  }
0x38: {  	s10 =	sld [smem:$0x3FB7]  }
0x39: {  	_ = 	snop;
	(pc) =	sbr.ind lr, $3  }
0x3a: {  	_ = 	snop  }
0x3b: {  	_ = 	snop  }
0x3c: {  	p2 =	seq.s32 s10, $0x1;
	s10 =	sld [smem:$0x3FB6]  }
0x3d: {  	_ =	shalt  }
0x3e: {  	_ =	shalt  }
0x3f: {  	_ =	shalt  }
0x40: {  	_ =	shalt  }
0x41: {  	_ =	shalt  }
0x42: {  	_ =	shalt  }
0x43: {  	_ =	shalt  }
0x44: {  	_ =	shalt  }
0x45: {  	_ =	shalt  }
0x46: {  	_ =	shalt  }
0x47: {  	_ =	shalt  }
0x48: {  	_ =	shalt  }
0x49: {  	_ =	shalt  }
0x4a: {  	_ =	shalt  }
0x4b: {  	_ =	shalt  }
0x4c: {  	_ =	shalt  }
0x4d: {  	_ =	shalt  }
0x4e: {  	_ =	shalt  }
0x4f: {  	_ =	shalt  }
0x50: {  	_ =	shalt  }
0x51: {  	_ =	shalt  }
0x52: {  	_ =	shalt  }
0x53: {  	_ =	shalt  }
0x54: {  	_ =	shalt  }
0x55: {  	_ =	shalt  }
0x56: {  	_ =	shalt  }
0x57: {  	_ =	shalt  }
0x58: {  	_ =	shalt  }
0x59: {  	_ =	shalt  }
0x5a: {  	_ =	shalt  }
0x5b: {  	_ =	shalt  }
0x5c: {  	_ =	shalt  }
0x5d: {  	_ =	shalt  }
0x5e: {  	_ =	shalt  }
0x5f: {  	_ =	shalt  }
0x60: {  	_ =	shalt  }
0x61: {  	_ =	shalt  }
0x62: {  	_ =	shalt  }
0x63: {  	_ =	shalt  }
0x64: {  	_ =	shalt  }
0x65: {  	_ =	shalt  }
0x66: {  	_ =	shalt  }
0x67: {  	_ =	shalt  }
0x68: {  	_ =	shalt  }
0x69: {  	_ =	shalt  }
0x6a: {  	_ =	shalt  }
0x6b: {  	_ =	shalt  }
0x6c: {  	_ =	shalt  }
0x6d: {  	_ =	shalt  }
0x6e: {  	_ =	shalt  }
0x6f: {  	_ =	shalt  }
0x70: {  	_ =	shalt  }
0x71: {  	_ =	shalt  }
0x72: {  	_ =	shalt  }
0x73: {  	_ =	shalt  }
0x74: {  	_ =	shalt  }
0x75: {  	_ =	shalt  }
0x76: {  	_ =	shalt  }
0x77: {  	_ =	shalt  }
0x78: {  	_ =	shalt  }
0x79: {  	_ =	shalt  }
0x7a: {  	_ =	shalt  }
0x7b: {  	_ =	shalt  }
0x7c: {  	_ =	shalt  }
0x7d: {  	_ =	shalt  }
0x7e: {  	_ =	shalt  }
0x7f: {  	_ =	shalt  }
0x80: {  	_ =	shalt  }
0x81: {  	_ =	shalt  }
0x82: {  	_ =	shalt  }
0x83: {  	_ =	shalt  }
0x84: {  	_ =	shalt  }
0x85: {  	_ =	shalt  }
0x86: {  	_ =	shalt  }
0x87: {  	_ =	shalt  }
.Lfunc_end0:
.L_simem_size_0:
called_computation_lowered:
.L_overlay_start_0:
0x88: {  	s2 =	sld [smem:$0x3FD9]  }
0x89: {  	s3 =	sld [smem:$0x3FFE];
	_ =	sdelay $0x1  }
0x8a: {  	s1 =	srdreg.scid  }
0x8b: {  	s0 =	sand.u32 $0x1, s1  }
0x8c: {  	s17 =	sshll.u32 s0, $0xA;
	s2 =	sadd.s32 s3, s2  }
0x8d: {  	s2 =	sadd.s32 s2, s17  }
0x8e: {  	[smem:$0x3FC2] =	sst s2  }
0x8f: {  	_ = 	snop  }
0x90: {  	s2 =	sld [smem:$0x3FD0];
	(tm) =	ssettm $0x1  }
0x91: {  	s18 =	sld [smem:$0x3FFB];
	_ =	sdelay $0x3  }
0x92: {  	_ =	strace s18  }
0x93: {  	s3 =	sld [smem:$0x3FFC];
	_ =	sdelay $0x3  }
0x94: {  	_ =	strace s3  }
0x95: {  	s3 =	sld [smem:$0x3FFD];
	_ =	sdelay $0x3  }
0x96: {  	_ =	strace s3  }
0x97: {  	_ =	strace $0x8FFFFFFF  }
0x98: {  	s19 =	sld [smem:$0x3FDB];
	_ =	sdelay $0x1  }
0x99: {  	s4 =	simm.s32 $_scs_section_size  }
0x9a: {  	s5 =	simm.s32 $_size__tile_overlayer_lowered;
	s6 =	simm.s32 $_tile_overlayer_lowered  }
0x9b: {  	s22 =	simm.s32 $0x1BFF;
	s21 =	sshll.u32 s6, $0x1;
	s3 =	sadd.s32 s4, s19  }
0x9c: {  	s7 =	simm.s32 $0x0;
	s20 =	sshll.u32 s5, $0x1;
	s5 =	sadd.s32 s21, s3  }
0x9d: {  	[timem:s7], [sflag:s22] =	dma.local [hbm:s5], s20  }
0x9e: {  	_ =	swait.ge [sflag:s22], s20  }
0x9f: {  	s4 =	ssub.s32 $0x0, s20;
	[sflag:s22] =	ssyncset.done $0x0  }
0xa0: {  	[sflag:s22] =	ssyncadd.s32 s4;
	_ =	sdelay $0x1  }
0xa1: {  	s23 =	simm.s32 $0x1B8B  }
0xa2: {  	_ =	swait.ge [sflag:s23], $0x1  }
0xa3: {  	[sflag:s23] =	ssyncset.done $0x0  }
0xa4: {  	s25 =	simm.s32 $0x1B8E;
	s24 =	sld [smem:$0x3FFE];
	[sflag:s23] =	ssyncadd.s32 $0xFFFFFFFF  }
0xa5: {  	s26 =	simm.s32 $execute0_lowered;
	[smem:$0x3FD2] =	sst s25  }
0xa6: {  	s5 =	sshll.u32 s26, $0x1;
	_ =	strace $0x80000046;
	[dreg:$0x1] =	wrdreg $0xFFFFFFFF  }
0xa7: {  	s28 =	simm.s32 $_size_execute0_lowered;
	s3 =	sadd.s32 s3, s5;
	[dreg:$0x0] =	wrdreg $0x0  }
0xa8: {  	s5 =	sshll.u32 s28, $0x1;
	[dreg:$0x2] =	wrdreg s3  }
0xa9: {  	[dreg:$0x3] =	wrdreg s5  }
0xaa: {  	[dreg:$0x4] =	wrdreg $0xC0  }
0xab: {  	_ =	task [dreg:s7], $0x5FFFF  }
0xac: {  	[dreg:$0x1] =	wrdreg $0xFFFFFFFF  }
0xad: {  	[dreg:$0x0] =	wrdreg $0x60  }
0xae: {  	[dreg:$0x2] =	wrdreg s2  }
0xaf: {  	[dreg:$0x3] =	wrdreg s24  }
0xb0: {  	[dreg:$0x4] =	wrdreg $0x9  }
0xb1: {  	_ =	task.clear_ibuf [dreg:s7], $0x5FFFF;
	_ =	strace $0x90000046  }
0xb2: {  	s29 =	simm.s32 $0x9;
	_ =	strace $0x80000048  }
0xb3: {  	_ =	swait.ge [sflag:s29], $0x1  }
0xb4: {  	[sflag:s29] =	ssyncadd.s32 $0xFFFFFFFF  }
0xb5: {  	_ =	strace $0x90000048  }
0xb6: {  	_ =	sfence  }
0xb7: {  	s30 =	sld [smem:$0x0];
	_ =	sdelay $0x2  }
0xb8: {  	s31 =	sshll.u32 s1, $0xD;
	s1 =	sshrl.u32 s1, $0x2  }
0xb9: {  	s3 =	sand.u32 $0x4000, s31;
	s1 =	sadd.s32 s1, s30  }
0xba: {  	s0 =	sor.u32 s3, s0;
	s1 =	sshll.u32 s1, $0x11  }
0xbb: {  	s0 =	sor.u32 s1, s0  }
0xbc: {  	s0 =	sadd.s32 $0x8F2B, s0  }
0xbd: {  	[sflag:s0] =	ssyncadd.remote.s32 $0x1  }
0xbe: {  	_ =	sfence.sel $0xFFFF  }
0xbf: {  	[dreg:$0x0] =	wrdreg $0xFFFFFFFF;
	(pc) =	sbr.abs _section_cstart, $3  }
0xc0: {  	[dreg:$0x1] =	wrdreg $0xFFFFFFFF  }
0xc1: {  	_ =	task.clear_ibuf [dreg:s7], $0x2FFFF;
	_ =	strace $0x9FFFFFFF  }
0xc2: {  	(tm) =	ssettm $0x7FFFFFFF  }
0xc3: {  	_ =	shalt  }
tec
execute0_lowered:
.L_overlay_start_1:
0x0: {  	(tag) =	ssettag $0x1  }
0x1: {  	s0 =	srdreg.scid  }
0x2: {  	s3 =	sand.u32 $0x1, s0  }
0x3: {  	s0 =	stileid.u32;
	s1 =	sshll.u32 s3, $0x4  }
0x4: {  	s4 =	rddreg [dreg:$0x0];
	s6 =	sor.u32 s0, s1  }
0x5: {  	s5 =	rddreg [dreg:$0x1];
	s2 =	simm.s32 $0x0;
	s6 =	smul.u32 $0x2710, s6  }
0x6: {  	s8 =	simm.s32 $0x0;
	[smem:$0x7FF] =	sst s2;
	s3 =	ssub.s32 $0x2, s3  }
0x7: {  	s1 =	rddreg [dreg:$0x2];
	s7 =	sshrl.u32 s3, $0x1;
	s6 =	sshrl.u32 s6, $0x3  }
0x8: {  	_ =	strace $0x80000047;
	s7 =	ssub.s32 s3, s7;
	s31 =	sadd.s32 s4, s6  }
0x9: {  	s5 =	sadd.s32 s6, s5;
	s6 =	simm.s32 $0x1;
	s3 =	sadd.s32 $0x9C40, s31  }
0xa: {  	v0 =	vimm.f32 $0.0e+00;
	v1 =	vimm.f32 $1.000000000e+00;
	s4 =	sadd.s32 $0x2600, s5;
	s5 =	smax.u32 s7, $0x1;
	s7 =	simm.s32 $0x2710  }
.LBB2_1:
0xb: {  	[tilespmem:s2], [sflag:$0x1] =	stream.linear.gather [hbm4b:s3+s2], $0x2710, $0x38;
	[tilespmem:$0x4E20] =	vst v63  }
0xc: {  	_ =	swait.ge [sflag:s6], $0x2710  }
0xd: {  	[sflag:s6] =	ssyncset.done $0x0  }
0xe: {  	s9 =	simm.s32 $0x0;
	[sflag:s6] =	ssyncadd.s32 $0xFFFFD8F0  }
.LBB2_2:
0xf: {  	p0 =	sne.s32 s9, $0x9C00  }
.Ltmp0:
0x10: {  	_ = 	snop;
	(pc) =	sbr.rel @p0 .LBB2_2-.Ltmp0, $3  }
0x11: {  	_ =	sdelay $0x1  }
0x12: {  	s10 =	sshra.s32 s9, $0x2  }
0x13: {  	s9 =	sadd.s32 $0x40, s9;
	[tilespmem:s10+$0x2710] =	vst v0  }
0x14: {  	s10 =	simm.s32 $0x0;
	s9 =	simm.s32 $0x40  }
.LBB2_4:
0x15: {  	p0 =	sne.s32 s9, $0x9C00;
	v2 =	vld [tilespmem:s10+$0x0];
	_ =	sdelay $0x3  }
.Ltmp1:
0x16: {  	(pc) =	sbr.rel @p0 .LBB2_4-.Ltmp1, $2  }
0x17: {  	_ =	sdelay $0x2  }
0x18: {  	s10 =	sshra.s32 s9, $0x2;
	s9 =	sadd.s32 $0x40, s9;
	[tilespmem:v2+s7+$0x0] =	vst.idx.add.f32.msk $0xffff, v1  }
0x19: {  	v2 =	vld [tilespmem:s10+$0x0];
	_ =	sdelay $0x5  }
0x1a: {  	s8 =	sadd.s32 $0x1, s8  }
0x1b: {  	p0 =	sne.s32 s8, s5  }
.Ltmp2:
0x1c: {  	[tilespmem:v2+s7+$0x0] =	vst.idx.add.f32.msk $0xffff, v1;
	(pc) =	sbr.rel @p0 .LBB2_1-.Ltmp2, $4  }
0x1d: {  	[hbm4b:s4+s2] =	stream.linear.scatter [tilespmem:s7], [sflag:$0x1], $0x2710, $0x38;
	[tilespmem:$0x4E20] =	vst v63  }
0x1e: {  	_ =	swait.ge [sflag:s6], $0x2710  }
0x1f: {  	[sflag:s6] =	ssyncset.done $0x0  }
0x20: {  	[sflag:s6] =	ssyncadd.s32 $0xFFFFD8F0  }
0x21: {  	_ =	sfence.sel $0x180000  }
0x22: {  	[bflag:$0x0] =	sbarrier.arrive $0xFFFF  }
0x23: {  	p0 =	sne.s32 s0, $0x0;
	_ =	strace $0x90000047  }
0x24: {  	s0 =	sadd.s32 @!p0 $0x100000, s1;
	[bflag:$0x2] =	sbarrier.arrive $0xFFFF  }
0x25: {  	[sflag:s0] =	ssyncadd.tile.s32 @!p0 $0x1;
	_ =	shalt  }
.Lfunc_end2:
_tile_overlayer_lowered:
.L_overlay_start_2:
0x26: {  	(tag) =	ssettag $0x2  }
0x27: {  	s0 =	rddreg [dreg:$0x0];
	s2 =	stileid.u32  }
0x28: {  	s1 =	rddreg [dreg:$0x1];
	p0 =	sne.s32 s2, $0x0  }
0x29: {  	s3 =	rddreg [dreg:$0x2];
	[bflag:$0x3] =	sbarrier.arrive $0xFFFF;
	s2 =	simm.s32 @!p0 $0x1C01  }
0x2a: {  	[timem:s3], [sflag:s2] =	dma.local @!p0 [hbm:s0], s1  }
0x2b: {  	s0 =	simm.s32 @!p0 $0x1  }
0x2c: {  	_ =	swait.ge @!p0 [sflag:s0], s1  }
0x2d: {  	s1 =	ssub.s32 @!p0 $0x0, s1;
	[sflag:s0] =	ssyncset.done @!p0 $0x0  }
0x2e: {  	[sflag:s0] =	ssyncadd.s32 @!p0 s1  }
0x2f: {  	[bflag:$0x3] =	sbarrier.arrive $0xFFFF  }
0x30: {  	_ =	shalt  }

</sc_bundles>
